<compile_context>
chip_gen: v7x
topology: tpu7x:2x2x1
jax: 0.10.2.dev20260603
libtpu: 0.0.44.dev20260713+nightly
codegen_flags: <defaults>
</compile_context>

<pallas_src>
import functools

import jax
import jax.numpy as jnp
from jax import lax
from jax.experimental import pallas as pl
from jax.experimental.pallas import tpu as pltpu
from jax.experimental.pallas import tpu_sc as plsc

N_NODES = 10000
N_PAD = 10240
N_EDGES = 320000
E_PAD = 327680
D = 128
NC = 2
NS = 16
NW = NC * NS
E_PER_W = E_PAD // NW
CHUNK = 80
NCHUNK = E_PER_W // CHUNK
WCH = NCHUNK // 2
DCHUNK = 128
DCHUNKS = E_PER_W // DCHUNK
ROWS_PER_TILE = N_PAD // NS
RBLK = 1024

_sc_mesh = plsc.VectorSubcoreMesh(core_axis_name="c", subcore_axis_name="s")



@functools.partial(
    pl.kernel,
    out_type=jax.ShapeDtypeStruct((NC, N_PAD, 8), jnp.float32),
    mesh=_sc_mesh,
    scratch_types=[
        pltpu.VMEM((DCHUNKS, DCHUNK), jnp.int32),
        pltpu.VMEM((DCHUNK, 8), jnp.float32),
        pltpu.VMEM_SHARED((N_PAD, 8), jnp.float32),
    ],
)
def _sc_deg(dst_hbm, ones_hbm, out_hbm, dst_v, ones_v, deg):
    c = lax.axis_index("c")
    s = lax.axis_index("s")
    wid = c * NS + s
    row0 = s * ROWS_PER_TILE
    pltpu.sync_copy(ones_hbm.at[pl.ds(0, ROWS_PER_TILE)],
                    deg.at[pl.ds(row0, ROWS_PER_TILE)])
    pltpu.sync_copy(ones_hbm.at[pl.ds(0, DCHUNK)], ones_v)
    pltpu.sync_copy(dst_hbm.at[wid], dst_v)
    plsc.subcore_barrier()

    def body(j, carry):
        pltpu.sync_copy(ones_v, deg.at[dst_v.at[j]], add=True)
        return carry

    lax.fori_loop(0, DCHUNKS, body, 0)
    plsc.subcore_barrier()
    pltpu.sync_copy(deg.at[pl.ds(row0, ROWS_PER_TILE)],
                    out_hbm.at[c].at[pl.ds(row0, ROWS_PER_TILE)])


@functools.partial(
    pl.kernel,
    out_type=jax.ShapeDtypeStruct((NC, N_PAD, D), jnp.float32),
    mesh=_sc_mesh,
    scratch_types=[
        pltpu.VMEM((WCH, CHUNK), jnp.int32),
        pltpu.VMEM((WCH, CHUNK), jnp.int32),
        pltpu.VMEM((CHUNK, D), jnp.float32),
        pltpu.VMEM((CHUNK, D), jnp.float32),
        pltpu.VMEM_SHARED((N_PAD, D), jnp.float32),
        pltpu.SemaphoreType.DMA,
        pltpu.SemaphoreType.DMA,
    ],
)
def _sc_agg(src_hbm, dst_hbm, hs_hbm, out_hbm, src_v, dst_v, buf_a, buf_b,
            acc, sem_a, sem_b):
    c = lax.axis_index("c")
    s = lax.axis_index("s")
    wid = c * NS + s
    row0 = s * ROWS_PER_TILE
    pltpu.sync_copy(hs_hbm.at[pl.ds(row0, ROWS_PER_TILE)],
                    acc.at[pl.ds(row0, ROWS_PER_TILE)])
    plsc.subcore_barrier()

    def _start(j, buf, sem):
        pltpu.async_copy(hs_hbm.at[src_v.at[j]], buf, sem)

    def _wait(j, buf, sem):
        pltpu.make_async_copy(hs_hbm.at[src_v.at[j]], buf, sem).wait()

    def _scat(j, buf):
        pltpu.sync_copy(buf, acc.at[dst_v.at[j]], add=True)

    for w in range(2):
        pltpu.sync_copy(src_hbm.at[wid].at[w], src_v)
        pltpu.sync_copy(dst_hbm.at[wid].at[w], dst_v)
        _start(0, buf_a, sem_a)

        def body(i, carry):
            j = 2 * i
            _start(j + 1, buf_b, sem_b)
            _wait(j, buf_a, sem_a)
            _scat(j, buf_a)

            @pl.when(j + 2 < WCH)
            def _():
                _start(j + 2, buf_a, sem_a)

            _wait(j + 1, buf_b, sem_b)
            _scat(j + 1, buf_b)
            return carry

        lax.fori_loop(0, WCH // 2, body, 0)

    plsc.subcore_barrier()
    pltpu.sync_copy(acc.at[pl.ds(row0, ROWS_PER_TILE)],
                    out_hbm.at[c].at[pl.ds(row0, ROWS_PER_TILE)])



def _dinv(d0_ref, d1_ref):
    deg = d0_ref[:, :1] + d1_ref[:, :1] - 1.0
    return lax.rsqrt(deg)


def _pre_body(x_ref, d0_ref, d1_ref, w_ref, o_ref):
    xs = x_ref[...] * _dinv(d0_ref, d1_ref)
    o_ref[...] = jnp.dot(xs, w_ref[...], preferred_element_type=jnp.float32,
                         precision=lax.Precision.HIGHEST)


def _mid_body(p0_ref, p1_ref, hs_ref, d0_ref, d1_ref, b_ref, w_ref, o_ref):
    dinv = _dinv(d0_ref, d1_ref)
    agg = p0_ref[...] + p1_ref[...] - hs_ref[...]
    h = jnp.maximum(agg * dinv + b_ref[...], 0.0)
    o_ref[...] = jnp.dot(h * dinv, w_ref[...],
                         preferred_element_type=jnp.float32,
                         precision=lax.Precision.HIGHEST)


def _fin_body(p0_ref, p1_ref, hs_ref, d0_ref, d1_ref, b_ref, w_ref, bf_ref,
              o_ref):
    dinv = _dinv(d0_ref, d1_ref)
    agg = p0_ref[...] + p1_ref[...] - hs_ref[...]
    h = jnp.maximum(agg * dinv + b_ref[...], 0.0)
    o_ref[...] = jnp.dot(h, w_ref[...], preferred_element_type=jnp.float32,
                         precision=lax.Precision.HIGHEST) + bf_ref[...]


def _row_spec(rows, cols):
    return pl.BlockSpec((rows, cols), lambda i: (i, 0))


def _full_spec(r, c):
    return pl.BlockSpec((r, c), lambda i: (0, 0))


_tc_pre = pl.pallas_call(
    _pre_body,
    grid=(N_PAD // RBLK,),
    in_specs=[_row_spec(RBLK, D), _row_spec(RBLK, 8), _row_spec(RBLK, 8),
              _full_spec(D, D)],
    out_specs=_row_spec(RBLK, D),
    out_shape=jax.ShapeDtypeStruct((N_PAD, D), jnp.float32),
)

_tc_mid = pl.pallas_call(
    _mid_body,
    grid=(N_PAD // RBLK,),
    in_specs=[_row_spec(RBLK, D), _row_spec(RBLK, D), _row_spec(RBLK, D),
              _row_spec(RBLK, 8), _row_spec(RBLK, 8), _full_spec(1, D),
              _full_spec(D, D)],
    out_specs=_row_spec(RBLK, D),
    out_shape=jax.ShapeDtypeStruct((N_PAD, D), jnp.float32),
)

_FBLK = 1000

_tc_fin = pl.pallas_call(
    _fin_body,
    grid=(N_NODES // _FBLK,),
    in_specs=[_row_spec(_FBLK, D), _row_spec(_FBLK, D), _row_spec(_FBLK, D),
              _row_spec(_FBLK, 8), _row_spec(_FBLK, 8), _full_spec(1, D),
              _full_spec(D, 16), _full_spec(1, 16)],
    out_specs=_row_spec(_FBLK, 16),
    out_shape=jax.ShapeDtypeStruct((N_NODES, 16), jnp.float32),
)


def kernel(x, edge_index, W1, b1, W2, b2, Wfc, bfc):
    pad_ix = N_NODES + (jnp.arange(E_PAD - N_EDGES, dtype=jnp.int32)
                        % (N_PAD - N_NODES))
    src = jnp.concatenate([edge_index[0].astype(jnp.int32), pad_ix])
    dst = jnp.concatenate([edge_index[1].astype(jnp.int32), pad_ix])
    dstd = dst.reshape(NW, DCHUNKS, DCHUNK)
    src = src.reshape(NW, 2, WCH, CHUNK)
    dst = dst.reshape(NW, 2, WCH, CHUNK)
    x = jnp.concatenate([x, jnp.zeros((N_PAD - N_NODES, D), x.dtype)])
    ones = jnp.ones((E_PER_W, 8), jnp.float32)

    degp = _sc_deg(dstd, ones)
    d0, d1 = degp[0], degp[1]
    b1r = b1.reshape(1, D)
    b2r = b2.reshape(1, D)
    bfr = bfc.reshape(1, 16)

    hs1 = _tc_pre(x, d0, d1, W1)
    p = _sc_agg(src, dst, hs1)
    hs2 = _tc_mid(p[0], p[1], hs1, d0, d1, b1r, W2)
    q = _sc_agg(src, dst, hs2)
    return _tc_fin(q[0], q[1], hs2, d0, d1, b2r, Wfc, bfr)

# --- scband reference (transcript-rebuilt; emitter-appended) ---
"""Pipeline reference for scband-gnn-qnetwork-12678743458408 (READ-ONLY COPY).

The authoritative reference and input builder live on the scoring server;
editing this copy changes nothing except your own understanding.
"""

import jax, jax.numpy as jnp
import numpy as np

NUM_NODES = 10000
NUM_EDGES = 320000
D_FEAT = 128
HIDDEN = 128
NUM_ACTIONS = 16


def setup_inputs(seed: int = 0) -> dict:
    key = jax.random.key(seed)
    ks = jax.random.split(key, 9)
    x = jax.random.normal(ks[0], (NUM_NODES, D_FEAT), dtype=jnp.float32)
    edge_index = jax.random.randint(ks[1], (2, NUM_EDGES), 0, NUM_NODES, dtype=jnp.int64)
    # GCNConv weights (glorot-ish init) and biases
    W1 = jax.random.normal(ks[2], (D_FEAT, HIDDEN), dtype=jnp.float32) * (1.0 / np.sqrt(D_FEAT))
    b1 = jnp.zeros((HIDDEN,), dtype=jnp.float32)
    W2 = jax.random.normal(ks[3], (HIDDEN, HIDDEN), dtype=jnp.float32) * (1.0 / np.sqrt(HIDDEN))
    b2 = jnp.zeros((HIDDEN,), dtype=jnp.float32)
    Wfc = jax.random.normal(ks[4], (HIDDEN, NUM_ACTIONS), dtype=jnp.float32) * (1.0 / np.sqrt(HIDDEN))
    bfc = jnp.zeros((NUM_ACTIONS,), dtype=jnp.float32)
    return {"x": x, "edge_index": edge_index, "W1": W1, "b1": b1, "W2": W2, "b2": b2, "Wfc": Wfc, "bfc": bfc}


def _gcn_conv(x, src, dst, norm, W, b, num_nodes):
    # linear transform then normalized scatter-add aggregation (GCN)
    h = x @ W
    msg = h[src] * norm[:, None]
    out = jnp.zeros((num_nodes, h.shape[1]), dtype=h.dtype).at[dst].add(msg)
    return out + b


def _gcn_norm(edge_index, num_nodes):
    # add self-loops and compute symmetric normalization coefficients
    loop = jnp.arange(num_nodes, dtype=edge_index.dtype)
    src = jnp.concatenate([edge_index[0], loop])
    dst = jnp.concatenate([edge_index[1], loop])
    deg = jnp.zeros((num_nodes,), dtype=jnp.float32).at[dst].add(1.0)
    deg_inv_sqrt = jnp.where(deg > 0, 1.0 / jnp.sqrt(deg), 0.0)
    norm = deg_inv_sqrt[src] * deg_inv_sqrt[dst]
    return src, dst, norm


def reference(x, edge_index, W1, b1, W2, b2, Wfc, bfc):
    num_nodes = x.shape[0]
    src, dst, norm = _gcn_norm(edge_index, num_nodes)
    h = _gcn_conv(x, src, dst, norm, W1, b1, num_nodes)
    h = jax.nn.relu(h)
    h = _gcn_conv(h, src, dst, norm, W2, b2, num_nodes)
    h = jax.nn.relu(h)
    return h @ Wfc + bfc

if __name__ == "__main__":
    import jax
    _d = setup_inputs()
    print(jax.jit(kernel)(*tuple(_d.values())))

</pallas_src>

<mosaic_0001>
#map = affine_map<(d0, d1) -> (0, 0, 0, 0)>
#map1 = affine_map<(d0, d1) -> (0, 0)>
#map2 = affine_map<(d0, d1) -> (0, 0, 0)>
module attributes {stable_mosaic.version = 14 : i64} {
  func.func @_sc_agg(%arg0: i32, %arg1: i32, %arg2: memref<32x2x64x80xi32, #tpu.memory_space<hbm>>, %arg3: memref<32x2x64x80xi32, #tpu.memory_space<hbm>>, %arg4: memref<10240x128xf32, #tpu.memory_space<hbm>>, %arg5: memref<2x10240x128xf32, #tpu.memory_space<hbm>>, %arg6: memref<64x80xi32, #tpu.memory_space<vmem>>, %arg7: memref<64x80xi32, #tpu.memory_space<vmem>>, %arg8: memref<80x128xf32, #tpu.memory_space<vmem>>, %arg9: memref<80x128xf32, #tpu.memory_space<vmem>>, %arg10: memref<10240x128xf32, #tpu.memory_space<vmem_shared>>, %arg11: memref<!tpu.dma_semaphore, #tpu.memory_space<semaphore_mem>>, %arg12: memref<!tpu.dma_semaphore, #tpu.memory_space<semaphore_mem>>) attributes {dimension_semantics = [#tpu.dimension_semantics<core_parallel>, #tpu.dimension_semantics<subcore_parallel>], iteration_bounds = array<i64: 2, 16>, scalar_prefetch = 0 : i64, scratch_operands = 7 : i64, tpu.core_type = #tpu.core_type<sc_vector_subcore>, window_params = [{transform_indices = #map}, {transform_indices = #map}, {transform_indices = #map1}, {transform_indices = #map2}]} {
    %mul3A = arith.constant 16 : i32
    %mul3A_0 = arith.muli %arg0, %mul3A : i32
    %add3A = arith.addi %mul3A_0, %arg1 : i32
    %mul3A_1 = arith.constant 640 : i32
    %mul3A_2 = arith.muli %arg1, %mul3A_1 : i32
    "tpu.region"() ({
      %run_scoped3A_31 = tpu.sem_alloc : memref<!tpu.dma_semaphore, #tpu.memory_space<semaphore_mem>>
      %dma_start3A_32 = arith.constant 0 : i32
      %dma_start3A_33 = tpu.memref_slice %arg10[%mul3A_2, %dma_start3A_32] : memref<10240x128xf32, #tpu.memory_space<vmem_shared>> -> memref<640x128xf32, #tpu.memory_space<vmem_shared>>
      %dma_start3A_34 = arith.constant 0 : i32
      %dma_start3A_35 = tpu.memref_slice %arg4[%mul3A_2, %dma_start3A_34] : memref<10240x128xf32, #tpu.memory_space<hbm>> -> memref<640x128xf32, #tpu.memory_space<hbm>>
      tpu.enqueue_dma source(%dma_start3A_35 : memref<640x128xf32, #tpu.memory_space<hbm>>) target(%dma_start3A_33 : memref<640x128xf32, #tpu.memory_space<vmem_shared>>) target_semaphore(%run_scoped3A_31 : memref<!tpu.dma_semaphore, #tpu.memory_space<semaphore_mem>>)
      %dma_wait3A = arith.constant 0 : i32
      %dma_wait3A_36 = tpu.memref_slice %arg10[%mul3A_2, %dma_wait3A] : memref<10240x128xf32, #tpu.memory_space<vmem_shared>> -> memref<640x128xf32, #tpu.memory_space<vmem_shared>>
      %dma_wait3A_37 = arith.constant 0 : i32
      %dma_wait3A_38 = tpu.memref_slice %arg4[%mul3A_2, %dma_wait3A_37] : memref<10240x128xf32, #tpu.memory_space<hbm>> -> memref<640x128xf32, #tpu.memory_space<hbm>>
      tpu.wait_dma2 semaphore(%run_scoped3A_31 : memref<!tpu.dma_semaphore, #tpu.memory_space<semaphore_mem>>) src(%dma_wait3A_38 : memref<640x128xf32, #tpu.memory_space<hbm>>) dst(%dma_wait3A_36 : memref<640x128xf32, #tpu.memory_space<vmem_shared>>)
      tpu.yield
    }) : () -> ()
    %barrier3A = arith.constant 0 : index
    tpu.barrier barrier_id(%barrier3A)
    %run_scoped3A = arith.constant 0 : i32
    "tpu.region"() ({
      %run_scoped3A_31 = tpu.sem_alloc : memref<!tpu.dma_semaphore, #tpu.memory_space<semaphore_mem>>
      %dma_start3A_32 = arith.constant 0 : i32
      %dma_start3A_33 = arith.constant 0 : i32
      %dma_start3A_34 = arith.constant 0 : i32
      %dma_start3A_35 = tpu.memref_slice %arg2[%add3A, %dma_start3A_32, %dma_start3A_33, %dma_start3A_34] : memref<32x2x64x80xi32, #tpu.memory_space<hbm>> -> memref<1x2x64x80xi32, #tpu.memory_space<hbm>>
      %dma_start3A_36 = tpu.memref_squeeze %dma_start3A_35 : memref<1x2x64x80xi32, #tpu.memory_space<hbm>> -> memref<2x64x80xi32, #tpu.memory_space<hbm>>
      %dma_start3A_37 = arith.constant 0 : i32
      %dma_start3A_38 = arith.constant 0 : i32
      %dma_start3A_39 = tpu.memref_slice %dma_start3A_36[%run_scoped3A, %dma_start3A_37, %dma_start3A_38] : memref<2x64x80xi32, #tpu.memory_space<hbm>> -> memref<1x64x80xi32, #tpu.memory_space<hbm>>
      %dma_start3A_40 = tpu.memref_squeeze %dma_start3A_39 : memref<1x64x80xi32, #tpu.memory_space<hbm>> -> memref<64x80xi32, #tpu.memory_space<hbm>>
      %dma_start3A_41 = arith.constant 0 : i32
      %dma_start3A_42 = arith.constant 0 : i32
      %dma_start3A_43 = arith.constant 0 : i32
      %dma_start3A_44 = tpu.memref_slice %arg2[%add3A, %dma_start3A_41, %dma_start3A_42, %dma_start3A_43] : memref<32x2x64x80xi32, #tpu.memory_space<hbm>> -> memref<1x2x64x80xi32, #tpu.memory_space<hbm>>
      %dma_start3A_45 = tpu.memref_squeeze %dma_start3A_44 : memref<1x2x64x80xi32, #tpu.memory_space<hbm>> -> memref<2x64x80xi32, #tpu.memory_space<hbm>>
      %dma_start3A_46 = arith.constant 0 : i32
      %dma_start3A_47 = arith.constant 0 : i32
      %dma_start3A_48 = tpu.memref_slice %dma_start3A_45[%run_scoped3A, %dma_start3A_46, %dma_start3A_47] : memref<2x64x80xi32, #tpu.memory_space<hbm>> -> memref<1x64x80xi32, #tpu.memory_space<hbm>>
      %dma_start3A_49 = tpu.memref_squeeze %dma_start3A_48 : memref<1x64x80xi32, #tpu.memory_space<hbm>> -> memref<64x80xi32, #tpu.memory_space<hbm>>
      tpu.enqueue_dma source(%dma_start3A_49 : memref<64x80xi32, #tpu.memory_space<hbm>>) target(%arg6 : memref<64x80xi32, #tpu.memory_space<vmem>>) target_semaphore(%run_scoped3A_31 : memref<!tpu.dma_semaphore, #tpu.memory_space<semaphore_mem>>)
      %dma_wait3A = arith.constant 0 : i32
      %dma_wait3A_50 = arith.constant 0 : i32
      %dma_wait3A_51 = arith.constant 0 : i32
      %dma_wait3A_52 = tpu.memref_slice %arg2[%add3A, %dma_wait3A, %dma_wait3A_50, %dma_wait3A_51] : memref<32x2x64x80xi32, #tpu.memory_space<hbm>> -> memref<1x2x64x80xi32, #tpu.memory_space<hbm>>
      %dma_wait3A_53 = tpu.memref_squeeze %dma_wait3A_52 : memref<1x2x64x80xi32, #tpu.memory_space<hbm>> -> memref<2x64x80xi32, #tpu.memory_space<hbm>>
      %dma_wait3A_54 = arith.constant 0 : i32
      %dma_wait3A_55 = arith.constant 0 : i32
      %dma_wait3A_56 = tpu.memref_slice %dma_wait3A_53[%run_scoped3A, %dma_wait3A_54, %dma_wait3A_55] : memref<2x64x80xi32, #tpu.memory_space<hbm>> -> memref<1x64x80xi32, #tpu.memory_space<hbm>>
      %dma_wait3A_57 = tpu.memref_squeeze %dma_wait3A_56 : memref<1x64x80xi32, #tpu.memory_space<hbm>> -> memref<64x80xi32, #tpu.memory_space<hbm>>
      %dma_wait3A_58 = arith.constant 0 : i32
      %dma_wait3A_59 = arith.constant 0 : i32
      %dma_wait3A_60 = arith.constant 0 : i32
      %dma_wait3A_61 = tpu.memref_slice %arg2[%add3A, %dma_wait3A_58, %dma_wait3A_59, %dma_wait3A_60] : memref<32x2x64x80xi32, #tpu.memory_space<hbm>> -> memref<1x2x64x80xi32, #tpu.memory_space<hbm>>
      %dma_wait3A_62 = tpu.memref_squeeze %dma_wait3A_61 : memref<1x2x64x80xi32, #tpu.memory_space<hbm>> -> memref<2x64x80xi32, #tpu.memory_space<hbm>>
      %dma_wait3A_63 = arith.constant 0 : i32
      %dma_wait3A_64 = arith.constant 0 : i32
      %dma_wait3A_65 = tpu.memref_slice %dma_wait3A_62[%run_scoped3A, %dma_wait3A_63, %dma_wait3A_64] : memref<2x64x80xi32, #tpu.memory_space<hbm>> -> memref<1x64x80xi32, #tpu.memory_space<hbm>>
      %dma_wait3A_66 = tpu.memref_squeeze %dma_wait3A_65 : memref<1x64x80xi32, #tpu.memory_space<hbm>> -> memref<64x80xi32, #tpu.memory_space<hbm>>
      tpu.wait_dma2 semaphore(%run_scoped3A_31 : memref<!tpu.dma_semaphore, #tpu.memory_space<semaphore_mem>>) src(%dma_wait3A_66 : memref<64x80xi32, #tpu.memory_space<hbm>>) dst(%arg6 : memref<64x80xi32, #tpu.memory_space<vmem>>)
      tpu.yield
    }) : () -> ()
    %run_scoped3A_3 = arith.constant 0 : i32
    "tpu.region"() ({
      %run_scoped3A_31 = tpu.sem_alloc : memref<!tpu.dma_semaphore, #tpu.memory_space<semaphore_mem>>
      %dma_start3A_32 = arith.constant 0 : i32
      %dma_start3A_33 = arith.constant 0 : i32
      %dma_start3A_34 = arith.constant 0 : i32
      %dma_start3A_35 = tpu.memref_slice %arg3[%add3A, %dma_start3A_32, %dma_start3A_33, %dma_start3A_34] : memref<32x2x64x80xi32, #tpu.memory_space<hbm>> -> memref<1x2x64x80xi32, #tpu.memory_space<hbm>>
      %dma_start3A_36 = tpu.memref_squeeze %dma_start3A_35 : memref<1x2x64x80xi32, #tpu.memory_space<hbm>> -> memref<2x64x80xi32, #tpu.memory_space<hbm>>
      %dma_start3A_37 = arith.constant 0 : i32
      %dma_start3A_38 = arith.constant 0 : i32
      %dma_start3A_39 = tpu.memref_slice %dma_start3A_36[%run_scoped3A_3, %dma_start3A_37, %dma_start3A_38] : memref<2x64x80xi32, #tpu.memory_space<hbm>> -> memref<1x64x80xi32, #tpu.memory_space<hbm>>
      %dma_start3A_40 = tpu.memref_squeeze %dma_start3A_39 : memref<1x64x80xi32, #tpu.memory_space<hbm>> -> memref<64x80xi32, #tpu.memory_space<hbm>>
      %dma_start3A_41 = arith.constant 0 : i32
      %dma_start3A_42 = arith.constant 0 : i32
      %dma_start3A_43 = arith.constant 0 : i32
      %dma_start3A_44 = tpu.memref_slice %arg3[%add3A, %dma_start3A_41, %dma_start3A_42, %dma_start3A_43] : memref<32x2x64x80xi32, #tpu.memory_space<hbm>> -> memref<1x2x64x80xi32, #tpu.memory_space<hbm>>
      %dma_start3A_45 = tpu.memref_squeeze %dma_start3A_44 : memref<1x2x64x80xi32, #tpu.memory_space<hbm>> -> memref<2x64x80xi32, #tpu.memory_space<hbm>>
      %dma_start3A_46 = arith.constant 0 : i32
      %dma_start3A_47 = arith.constant 0 : i32
      %dma_start3A_48 = tpu.memref_slice %dma_start3A_45[%run_scoped3A_3, %dma_start3A_46, %dma_start3A_47] : memref<2x64x80xi32, #tpu.memory_space<hbm>> -> memref<1x64x80xi32, #tpu.memory_space<hbm>>
      %dma_start3A_49 = tpu.memref_squeeze %dma_start3A_48 : memref<1x64x80xi32, #tpu.memory_space<hbm>> -> memref<64x80xi32, #tpu.memory_space<hbm>>
      tpu.enqueue_dma source(%dma_start3A_49 : memref<64x80xi32, #tpu.memory_space<hbm>>) target(%arg7 : memref<64x80xi32, #tpu.memory_space<vmem>>) target_semaphore(%run_scoped3A_31 : memref<!tpu.dma_semaphore, #tpu.memory_space<semaphore_mem>>)
      %dma_wait3A = arith.constant 0 : i32
      %dma_wait3A_50 = arith.constant 0 : i32
      %dma_wait3A_51 = arith.constant 0 : i32
      %dma_wait3A_52 = tpu.memref_slice %arg3[%add3A, %dma_wait3A, %dma_wait3A_50, %dma_wait3A_51] : memref<32x2x64x80xi32, #tpu.memory_space<hbm>> -> memref<1x2x64x80xi32, #tpu.memory_space<hbm>>
      %dma_wait3A_53 = tpu.memref_squeeze %dma_wait3A_52 : memref<1x2x64x80xi32, #tpu.memory_space<hbm>> -> memref<2x64x80xi32, #tpu.memory_space<hbm>>
      %dma_wait3A_54 = arith.constant 0 : i32
      %dma_wait3A_55 = arith.constant 0 : i32
      %dma_wait3A_56 = tpu.memref_slice %dma_wait3A_53[%run_scoped3A_3, %dma_wait3A_54, %dma_wait3A_55] : memref<2x64x80xi32, #tpu.memory_space<hbm>> -> memref<1x64x80xi32, #tpu.memory_space<hbm>>
      %dma_wait3A_57 = tpu.memref_squeeze %dma_wait3A_56 : memref<1x64x80xi32, #tpu.memory_space<hbm>> -> memref<64x80xi32, #tpu.memory_space<hbm>>
      %dma_wait3A_58 = arith.constant 0 : i32
      %dma_wait3A_59 = arith.constant 0 : i32
      %dma_wait3A_60 = arith.constant 0 : i32
      %dma_wait3A_61 = tpu.memref_slice %arg3[%add3A, %dma_wait3A_58, %dma_wait3A_59, %dma_wait3A_60] : memref<32x2x64x80xi32, #tpu.memory_space<hbm>> -> memref<1x2x64x80xi32, #tpu.memory_space<hbm>>
      %dma_wait3A_62 = tpu.memref_squeeze %dma_wait3A_61 : memref<1x2x64x80xi32, #tpu.memory_space<hbm>> -> memref<2x64x80xi32, #tpu.memory_space<hbm>>
      %dma_wait3A_63 = arith.constant 0 : i32
      %dma_wait3A_64 = arith.constant 0 : i32
      %dma_wait3A_65 = tpu.memref_slice %dma_wait3A_62[%run_scoped3A_3, %dma_wait3A_63, %dma_wait3A_64] : memref<2x64x80xi32, #tpu.memory_space<hbm>> -> memref<1x64x80xi32, #tpu.memory_space<hbm>>
      %dma_wait3A_66 = tpu.memref_squeeze %dma_wait3A_65 : memref<1x64x80xi32, #tpu.memory_space<hbm>> -> memref<64x80xi32, #tpu.memory_space<hbm>>
      tpu.wait_dma2 semaphore(%run_scoped3A_31 : memref<!tpu.dma_semaphore, #tpu.memory_space<semaphore_mem>>) src(%dma_wait3A_66 : memref<64x80xi32, #tpu.memory_space<hbm>>) dst(%arg7 : memref<64x80xi32, #tpu.memory_space<vmem>>)
      tpu.yield
    }) : () -> ()
    %dma_start3A = arith.constant 0 : i32
    %dma_start3A_4 = arith.constant 0 : i32
    %dma_start3A_5 = tpu.memref_slice %arg6[%dma_start3A, %dma_start3A_4] : memref<64x80xi32, #tpu.memory_space<vmem>> -> memref<1x80xi32, #tpu.memory_space<vmem>>
    %dma_start3A_6 = tpu.memref_squeeze %dma_start3A_5 : memref<1x80xi32, #tpu.memory_space<vmem>> -> memref<80xi32, #tpu.memory_space<vmem>>
    %dma_start3A_7 = arith.constant 0 : i32
    %dma_start3A_8 = arith.constant 0 : i32
    %dma_start3A_9 = tpu.memref_slice %arg4[%dma_start3A_7, %dma_start3A_8] : memref<10240x128xf32, #tpu.memory_space<hbm>> -> memref<10240x128xf32, #tpu.memory_space<hbm>>
    tpu.enqueue_indirect_dma source(%dma_start3A_9 : memref<10240x128xf32, #tpu.memory_space<hbm>>) target(%arg8 : memref<80x128xf32, #tpu.memory_space<vmem>>) offsets(%dma_start3A_6 : memref<80xi32, #tpu.memory_space<vmem>>) semaphore(%arg11 : memref<!tpu.dma_semaphore, #tpu.memory_space<semaphore_mem>>)
    %scan3A = arith.constant 0 : i32
    %scan3A_10 = arith.constant 0 : i32
    %scan3A_11 = arith.constant 32 : i32
    %scan3A_12 = arith.addi %scan3A_10, %scan3A_11 : i32
    %scan3A_13 = arith.constant 1 : i32
    scf.for %scan3A_31 = %scan3A_10 to %scan3A_12 step %scan3A_13  : i32 {
      %mul3A_32 = arith.constant 2 : i32
      %mul3A_33 = arith.muli %mul3A_32, %scan3A_31 : i32
      %add3A_34 = arith.constant 1 : i32
      %add3A_35 = arith.addi %mul3A_33, %add3A_34 : i32
      %dma_start3A_36 = arith.constant 0 : i32
      %dma_start3A_37 = tpu.memref_slice %arg6[%add3A_35, %dma_start3A_36] : memref<64x80xi32, #tpu.memory_space<vmem>> -> memref<1x80xi32, #tpu.memory_space<vmem>>
      %dma_start3A_38 = tpu.memref_squeeze %dma_start3A_37 : memref<1x80xi32, #tpu.memory_space<vmem>> -> memref<80xi32, #tpu.memory_space<vmem>>
      %dma_start3A_39 = arith.constant 0 : i32
      %dma_start3A_40 = arith.constant 0 : i32
      %dma_start3A_41 = tpu.memref_slice %arg4[%dma_start3A_39, %dma_start3A_40] : memref<10240x128xf32, #tpu.memory_space<hbm>> -> memref<10240x128xf32, #tpu.memory_space<hbm>>
      tpu.enqueue_indirect_dma source(%dma_start3A_41 : memref<10240x128xf32, #tpu.memory_space<hbm>>) target(%arg9 : memref<80x128xf32, #tpu.memory_space<vmem>>) offsets(%dma_start3A_38 : memref<80xi32, #tpu.memory_space<vmem>>) semaphore(%arg12 : memref<!tpu.dma_semaphore, #tpu.memory_space<semaphore_mem>>)
      %dma_wait3A = arith.constant 0 : i32
      %dma_wait3A_42 = tpu.memref_slice %arg6[%mul3A_33, %dma_wait3A] : memref<64x80xi32, #tpu.memory_space<vmem>> -> memref<1x80xi32, #tpu.memory_space<vmem>>
      %dma_wait3A_43 = tpu.memref_squeeze %dma_wait3A_42 : memref<1x80xi32, #tpu.memory_space<vmem>> -> memref<80xi32, #tpu.memory_space<vmem>>
      %dma_wait3A_44 = arith.constant 0 : i32
      %dma_wait3A_45 = arith.constant 0 : i32
      %dma_wait3A_46 = tpu.memref_slice %arg4[%dma_wait3A_44, %dma_wait3A_45] : memref<10240x128xf32, #tpu.memory_space<hbm>> -> memref<10240x128xf32, #tpu.memory_space<hbm>>
      tpu.wait_indirect_dma semaphore(%arg11 : memref<!tpu.dma_semaphore, #tpu.memory_space<semaphore_mem>>) src(%dma_wait3A_46 : memref<10240x128xf32, #tpu.memory_space<hbm>>) dst(%arg8 : memref<80x128xf32, #tpu.memory_space<vmem>>)
      "tpu.region"() ({
        %run_scoped3A_61 = tpu.sem_alloc : memref<!tpu.dma_semaphore, #tpu.memory_space<semaphore_mem>>
        %dma_start3A_62 = arith.constant 0 : i32
        %dma_start3A_63 = tpu.memref_slice %arg7[%mul3A_33, %dma_start3A_62] : memref<64x80xi32, #tpu.memory_space<vmem>> -> memref<1x80xi32, #tpu.memory_space<vmem>>
        %dma_start3A_64 = tpu.memref_squeeze %dma_start3A_63 : memref<1x80xi32, #tpu.memory_space<vmem>> -> memref<80xi32, #tpu.memory_space<vmem>>
        %dma_start3A_65 = arith.constant 0 : i32
        %dma_start3A_66 = arith.constant 0 : i32
        %dma_start3A_67 = tpu.memref_slice %arg10[%dma_start3A_65, %dma_start3A_66] : memref<10240x128xf32, #tpu.memory_space<vmem_shared>> -> memref<10240x128xf32, #tpu.memory_space<vmem_shared>>
        tpu.enqueue_indirect_dma source(%arg8 : memref<80x128xf32, #tpu.memory_space<vmem>>) target(%dma_start3A_67 : memref<10240x128xf32, #tpu.memory_space<vmem_shared>>) offsets(%dma_start3A_64 : memref<80xi32, #tpu.memory_space<vmem>>) semaphore(%run_scoped3A_61 : memref<!tpu.dma_semaphore, #tpu.memory_space<semaphore_mem>>) {add = true}
        %dma_wait3A_68 = arith.constant 0 : i32
        %dma_wait3A_69 = tpu.memref_slice %arg7[%mul3A_33, %dma_wait3A_68] : memref<64x80xi32, #tpu.memory_space<vmem>> -> memref<1x80xi32, #tpu.memory_space<vmem>>
        %dma_wait3A_70 = tpu.memref_squeeze %dma_wait3A_69 : memref<1x80xi32, #tpu.memory_space<vmem>> -> memref<80xi32, #tpu.memory_space<vmem>>
        %dma_wait3A_71 = arith.constant 0 : i32
        %dma_wait3A_72 = arith.constant 0 : i32
        %dma_wait3A_73 = tpu.memref_slice %arg10[%dma_wait3A_71, %dma_wait3A_72] : memref<10240x128xf32, #tpu.memory_space<vmem_shared>> -> memref<10240x128xf32, #tpu.memory_space<vmem_shared>>
        tpu.wait_indirect_dma semaphore(%run_scoped3A_61 : memref<!tpu.dma_semaphore, #tpu.memory_space<semaphore_mem>>) src(%arg8 : memref<80x128xf32, #tpu.memory_space<vmem>>) dst(%dma_wait3A_73 : memref<10240x128xf32, #tpu.memory_space<vmem_shared>>)
        tpu.yield
      }) : () -> ()
      %add3A_47 = arith.constant 2 : i32
      %add3A_48 = arith.addi %mul3A_33, %add3A_47 : i32
      %lt3A = arith.constant 64 : i32
      %lt3A_49 = arith.cmpi slt, %add3A_48, %lt3A : i32
      %convert_element_type3A = arith.extui %lt3A_49 : i1 to i32
      %cond3A = arith.constant 0 : i32
      %cond3A_50 = arith.cmpi ne, %convert_element_type3A, %cond3A : i32
      scf.if %cond3A_50 {
        %add3A_61 = arith.constant 2 : i32
        %add3A_62 = arith.addi %mul3A_33, %add3A_61 : i32
        %dma_start3A_63 = arith.constant 0 : i32
        %dma_start3A_64 = tpu.memref_slice %arg6[%add3A_62, %dma_start3A_63] : memref<64x80xi32, #tpu.memory_space<vmem>> -> memref<1x80xi32, #tpu.memory_space<vmem>>
        %dma_start3A_65 = tpu.memref_squeeze %dma_start3A_64 : memref<1x80xi32, #tpu.memory_space<vmem>> -> memref<80xi32, #tpu.memory_space<vmem>>
        %dma_start3A_66 = arith.constant 0 : i32
        %dma_start3A_67 = arith.constant 0 : i32
        %dma_start3A_68 = tpu.memref_slice %arg4[%dma_start3A_66, %dma_start3A_67] : memref<10240x128xf32, #tpu.memory_space<hbm>> -> memref<10240x128xf32, #tpu.memory_space<hbm>>
        tpu.enqueue_indirect_dma source(%dma_start3A_68 : memref<10240x128xf32, #tpu.memory_space<hbm>>) target(%arg8 : memref<80x128xf32, #tpu.memory_space<vmem>>) offsets(%dma_start3A_65 : memref<80xi32, #tpu.memory_space<vmem>>) semaphore(%arg11 : memref<!tpu.dma_semaphore, #tpu.memory_space<semaphore_mem>>)
      } else {
      }
      %add3A_51 = arith.constant 1 : i32
      %add3A_52 = arith.addi %mul3A_33, %add3A_51 : i32
      %dma_wait3A_53 = arith.constant 0 : i32
      %dma_wait3A_54 = tpu.memref_slice %arg6[%add3A_52, %dma_wait3A_53] : memref<64x80xi32, #tpu.memory_space<vmem>> -> memref<1x80xi32, #tpu.memory_space<vmem>>
      %dma_wait3A_55 = tpu.memref_squeeze %dma_wait3A_54 : memref<1x80xi32, #tpu.memory_space<vmem>> -> memref<80xi32, #tpu.memory_space<vmem>>
      %dma_wait3A_56 = arith.constant 0 : i32
      %dma_wait3A_57 = arith.constant 0 : i32
      %dma_wait3A_58 = tpu.memref_slice %arg4[%dma_wait3A_56, %dma_wait3A_57] : memref<10240x128xf32, #tpu.memory_space<hbm>> -> memref<10240x128xf32, #tpu.memory_space<hbm>>
      tpu.wait_indirect_dma semaphore(%arg12 : memref<!tpu.dma_semaphore, #tpu.memory_space<semaphore_mem>>) src(%dma_wait3A_58 : memref<10240x128xf32, #tpu.memory_space<hbm>>) dst(%arg9 : memref<80x128xf32, #tpu.memory_space<vmem>>)
      %add3A_59 = arith.constant 1 : i32
      %add3A_60 = arith.addi %mul3A_33, %add3A_59 : i32
      "tpu.region"() ({
        %run_scoped3A_61 = tpu.sem_alloc : memref<!tpu.dma_semaphore, #tpu.memory_space<semaphore_mem>>
        %dma_start3A_62 = arith.constant 0 : i32
        %dma_start3A_63 = tpu.memref_slice %arg7[%add3A_60, %dma_start3A_62] : memref<64x80xi32, #tpu.memory_space<vmem>> -> memref<1x80xi32, #tpu.memory_space<vmem>>
        %dma_start3A_64 = tpu.memref_squeeze %dma_start3A_63 : memref<1x80xi32, #tpu.memory_space<vmem>> -> memref<80xi32, #tpu.memory_space<vmem>>
        %dma_start3A_65 = arith.constant 0 : i32
        %dma_start3A_66 = arith.constant 0 : i32
        %dma_start3A_67 = tpu.memref_slice %arg10[%dma_start3A_65, %dma_start3A_66] : memref<10240x128xf32, #tpu.memory_space<vmem_shared>> -> memref<10240x128xf32, #tpu.memory_space<vmem_shared>>
        tpu.enqueue_indirect_dma source(%arg9 : memref<80x128xf32, #tpu.memory_space<vmem>>) target(%dma_start3A_67 : memref<10240x128xf32, #tpu.memory_space<vmem_shared>>) offsets(%dma_start3A_64 : memref<80xi32, #tpu.memory_space<vmem>>) semaphore(%run_scoped3A_61 : memref<!tpu.dma_semaphore, #tpu.memory_space<semaphore_mem>>) {add = true}
        %dma_wait3A_68 = arith.constant 0 : i32
        %dma_wait3A_69 = tpu.memref_slice %arg7[%add3A_60, %dma_wait3A_68] : memref<64x80xi32, #tpu.memory_space<vmem>> -> memref<1x80xi32, #tpu.memory_space<vmem>>
        %dma_wait3A_70 = tpu.memref_squeeze %dma_wait3A_69 : memref<1x80xi32, #tpu.memory_space<vmem>> -> memref<80xi32, #tpu.memory_space<vmem>>
        %dma_wait3A_71 = arith.constant 0 : i32
        %dma_wait3A_72 = arith.constant 0 : i32
        %dma_wait3A_73 = tpu.memref_slice %arg10[%dma_wait3A_71, %dma_wait3A_72] : memref<10240x128xf32, #tpu.memory_space<vmem_shared>> -> memref<10240x128xf32, #tpu.memory_space<vmem_shared>>
        tpu.wait_indirect_dma semaphore(%run_scoped3A_61 : memref<!tpu.dma_semaphore, #tpu.memory_space<semaphore_mem>>) src(%arg9 : memref<80x128xf32, #tpu.memory_space<vmem>>) dst(%dma_wait3A_73 : memref<10240x128xf32, #tpu.memory_space<vmem_shared>>)
        tpu.yield
      }) : () -> ()
    }
    %scan3A_14 = arith.constant 32 : i32
    %run_scoped3A_15 = arith.constant 1 : i32
    "tpu.region"() ({
      %run_scoped3A_31 = tpu.sem_alloc : memref<!tpu.dma_semaphore, #tpu.memory_space<semaphore_mem>>
      %dma_start3A_32 = arith.constant 0 : i32
      %dma_start3A_33 = arith.constant 0 : i32
      %dma_start3A_34 = arith.constant 0 : i32
      %dma_start3A_35 = tpu.memref_slice %arg2[%add3A, %dma_start3A_32, %dma_start3A_33, %dma_start3A_34] : memref<32x2x64x80xi32, #tpu.memory_space<hbm>> -> memref<1x2x64x80xi32, #tpu.memory_space<hbm>>
      %dma_start3A_36 = tpu.memref_squeeze %dma_start3A_35 : memref<1x2x64x80xi32, #tpu.memory_space<hbm>> -> memref<2x64x80xi32, #tpu.memory_space<hbm>>
      %dma_start3A_37 = arith.constant 0 : i32
      %dma_start3A_38 = arith.constant 0 : i32
      %dma_start3A_39 = tpu.memref_slice %dma_start3A_36[%run_scoped3A_15, %dma_start3A_37, %dma_start3A_38] : memref<2x64x80xi32, #tpu.memory_space<hbm>> -> memref<1x64x80xi32, #tpu.memory_space<hbm>>
      %dma_start3A_40 = tpu.memref_squeeze %dma_start3A_39 : memref<1x64x80xi32, #tpu.memory_space<hbm>> -> memref<64x80xi32, #tpu.memory_space<hbm>>
      %dma_start3A_41 = arith.constant 0 : i32
      %dma_start3A_42 = arith.constant 0 : i32
      %dma_start3A_43 = arith.constant 0 : i32
      %dma_start3A_44 = tpu.memref_slice %arg2[%add3A, %dma_start3A_41, %dma_start3A_42, %dma_start3A_43] : memref<32x2x64x80xi32, #tpu.memory_space<hbm>> -> memref<1x2x64x80xi32, #tpu.memory_space<hbm>>
      %dma_start3A_45 = tpu.memref_squeeze %dma_start3A_44 : memref<1x2x64x80xi32, #tpu.memory_space<hbm>> -> memref<2x64x80xi32, #tpu.memory_space<hbm>>
      %dma_start3A_46 = arith.constant 0 : i32
      %dma_start3A_47 = arith.constant 0 : i32
      %dma_start3A_48 = tpu.memref_slice %dma_start3A_45[%run_scoped3A_15, %dma_start3A_46, %dma_start3A_47] : memref<2x64x80xi32, #tpu.memory_space<hbm>> -> memref<1x64x80xi32, #tpu.memory_space<hbm>>
      %dma_start3A_49 = tpu.memref_squeeze %dma_start3A_48 : memref<1x64x80xi32, #tpu.memory_space<hbm>> -> memref<64x80xi32, #tpu.memory_space<hbm>>
      tpu.enqueue_dma source(%dma_start3A_49 : memref<64x80xi32, #tpu.memory_space<hbm>>) target(%arg6 : memref<64x80xi32, #tpu.memory_space<vmem>>) target_semaphore(%run_scoped3A_31 : memref<!tpu.dma_semaphore, #tpu.memory_space<semaphore_mem>>)
      %dma_wait3A = arith.constant 0 : i32
      %dma_wait3A_50 = arith.constant 0 : i32
      %dma_wait3A_51 = arith.constant 0 : i32
      %dma_wait3A_52 = tpu.memref_slice %arg2[%add3A, %dma_wait3A, %dma_wait3A_50, %dma_wait3A_51] : memref<32x2x64x80xi32, #tpu.memory_space<hbm>> -> memref<1x2x64x80xi32, #tpu.memory_space<hbm>>
      %dma_wait3A_53 = tpu.memref_squeeze %dma_wait3A_52 : memref<1x2x64x80xi32, #tpu.memory_space<hbm>> -> memref<2x64x80xi32, #tpu.memory_space<hbm>>
      %dma_wait3A_54 = arith.constant 0 : i32
      %dma_wait3A_55 = arith.constant 0 : i32
      %dma_wait3A_56 = tpu.memref_slice %dma_wait3A_53[%run_scoped3A_15, %dma_wait3A_54, %dma_wait3A_55] : memref<2x64x80xi32, #tpu.memory_space<hbm>> -> memref<1x64x80xi32, #tpu.memory_space<hbm>>
      %dma_wait3A_57 = tpu.memref_squeeze %dma_wait3A_56 : memref<1x64x80xi32, #tpu.memory_space<hbm>> -> memref<64x80xi32, #tpu.memory_space<hbm>>
      %dma_wait3A_58 = arith.constant 0 : i32
      %dma_wait3A_59 = arith.constant 0 : i32
      %dma_wait3A_60 = arith.constant 0 : i32
      %dma_wait3A_61 = tpu.memref_slice %arg2[%add3A, %dma_wait3A_58, %dma_wait3A_59, %dma_wait3A_60] : memref<32x2x64x80xi32, #tpu.memory_space<hbm>> -> memref<1x2x64x80xi32, #tpu.memory_space<hbm>>
      %dma_wait3A_62 = tpu.memref_squeeze %dma_wait3A_61 : memref<1x2x64x80xi32, #tpu.memory_space<hbm>> -> memref<2x64x80xi32, #tpu.memory_space<hbm>>
      %dma_wait3A_63 = arith.constant 0 : i32
      %dma_wait3A_64 = arith.constant 0 : i32
      %dma_wait3A_65 = tpu.memref_slice %dma_wait3A_62[%run_scoped3A_15, %dma_wait3A_63, %dma_wait3A_64] : memref<2x64x80xi32, #tpu.memory_space<hbm>> -> memref<1x64x80xi32, #tpu.memory_space<hbm>>
      %dma_wait3A_66 = tpu.memref_squeeze %dma_wait3A_65 : memref<1x64x80xi32, #tpu.memory_space<hbm>> -> memref<64x80xi32, #tpu.memory_space<hbm>>
      tpu.wait_dma2 semaphore(%run_scoped3A_31 : memref<!tpu.dma_semaphore, #tpu.memory_space<semaphore_mem>>) src(%dma_wait3A_66 : memref<64x80xi32, #tpu.memory_space<hbm>>) dst(%arg6 : memref<64x80xi32, #tpu.memory_space<vmem>>)
      tpu.yield
    }) : () -> ()
    %run_scoped3A_16 = arith.constant 1 : i32
    "tpu.region"() ({
      %run_scoped3A_31 = tpu.sem_alloc : memref<!tpu.dma_semaphore, #tpu.memory_space<semaphore_mem>>
      %dma_start3A_32 = arith.constant 0 : i32
      %dma_start3A_33 = arith.constant 0 : i32
      %dma_start3A_34 = arith.constant 0 : i32
      %dma_start3A_35 = tpu.memref_slice %arg3[%add3A, %dma_start3A_32, %dma_start3A_33, %dma_start3A_34] : memref<32x2x64x80xi32, #tpu.memory_space<hbm>> -> memref<1x2x64x80xi32, #tpu.memory_space<hbm>>
      %dma_start3A_36 = tpu.memref_squeeze %dma_start3A_35 : memref<1x2x64x80xi32, #tpu.memory_space<hbm>> -> memref<2x64x80xi32, #tpu.memory_space<hbm>>
      %dma_start3A_37 = arith.constant 0 : i32
      %dma_start3A_38 = arith.constant 0 : i32
      %dma_start3A_39 = tpu.memref_slice %dma_start3A_36[%run_scoped3A_16, %dma_start3A_37, %dma_start3A_38] : memref<2x64x80xi32, #tpu.memory_space<hbm>> -> memref<1x64x80xi32, #tpu.memory_space<hbm>>
      %dma_start3A_40 = tpu.memref_squeeze %dma_start3A_39 : memref<1x64x80xi32, #tpu.memory_space<hbm>> -> memref<64x80xi32, #tpu.memory_space<hbm>>
      %dma_start3A_41 = arith.constant 0 : i32
      %dma_start3A_42 = arith.constant 0 : i32
      %dma_start3A_43 = arith.constant 0 : i32
      %dma_start3A_44 = tpu.memref_slice %arg3[%add3A, %dma_start3A_41, %dma_start3A_42, %dma_start3A_43] : memref<32x2x64x80xi32, #tpu.memory_space<hbm>> -> memref<1x2x64x80xi32, #tpu.memory_space<hbm>>
      %dma_start3A_45 = tpu.memref_squeeze %dma_start3A_44 : memref<1x2x64x80xi32, #tpu.memory_space<hbm>> -> memref<2x64x80xi32, #tpu.memory_space<hbm>>
      %dma_start3A_46 = arith.constant 0 : i32
      %dma_start3A_47 = arith.constant 0 : i32
      %dma_start3A_48 = tpu.memref_slice %dma_start3A_45[%run_scoped3A_16, %dma_start3A_46, %dma_start3A_47] : memref<2x64x80xi32, #tpu.memory_space<hbm>> -> memref<1x64x80xi32, #tpu.memory_space<hbm>>
      %dma_start3A_49 = tpu.memref_squeeze %dma_start3A_48 : memref<1x64x80xi32, #tpu.memory_space<hbm>> -> memref<64x80xi32, #tpu.memory_space<hbm>>
      tpu.enqueue_dma source(%dma_start3A_49 : memref<64x80xi32, #tpu.memory_space<hbm>>) target(%arg7 : memref<64x80xi32, #tpu.memory_space<vmem>>) target_semaphore(%run_scoped3A_31 : memref<!tpu.dma_semaphore, #tpu.memory_space<semaphore_mem>>)
      %dma_wait3A = arith.constant 0 : i32
      %dma_wait3A_50 = arith.constant 0 : i32
      %dma_wait3A_51 = arith.constant 0 : i32
      %dma_wait3A_52 = tpu.memref_slice %arg3[%add3A, %dma_wait3A, %dma_wait3A_50, %dma_wait3A_51] : memref<32x2x64x80xi32, #tpu.memory_space<hbm>> -> memref<1x2x64x80xi32, #tpu.memory_space<hbm>>
      %dma_wait3A_53 = tpu.memref_squeeze %dma_wait3A_52 : memref<1x2x64x80xi32, #tpu.memory_space<hbm>> -> memref<2x64x80xi32, #tpu.memory_space<hbm>>
      %dma_wait3A_54 = arith.constant 0 : i32
      %dma_wait3A_55 = arith.constant 0 : i32
      %dma_wait3A_56 = tpu.memref_slice %dma_wait3A_53[%run_scoped3A_16, %dma_wait3A_54, %dma_wait3A_55] : memref<2x64x80xi32, #tpu.memory_space<hbm>> -> memref<1x64x80xi32, #tpu.memory_space<hbm>>
      %dma_wait3A_57 = tpu.memref_squeeze %dma_wait3A_56 : memref<1x64x80xi32, #tpu.memory_space<hbm>> -> memref<64x80xi32, #tpu.memory_space<hbm>>
      %dma_wait3A_58 = arith.constant 0 : i32
      %dma_wait3A_59 = arith.constant 0 : i32
      %dma_wait3A_60 = arith.constant 0 : i32
      %dma_wait3A_61 = tpu.memref_slice %arg3[%add3A, %dma_wait3A_58, %dma_wait3A_59, %dma_wait3A_60] : memref<32x2x64x80xi32, #tpu.memory_space<hbm>> -> memref<1x2x64x80xi32, #tpu.memory_space<hbm>>
      %dma_wait3A_62 = tpu.memref_squeeze %dma_wait3A_61 : memref<1x2x64x80xi32, #tpu.memory_space<hbm>> -> memref<2x64x80xi32, #tpu.memory_space<hbm>>
      %dma_wait3A_63 = arith.constant 0 : i32
      %dma_wait3A_64 = arith.constant 0 : i32
      %dma_wait3A_65 = tpu.memref_slice %dma_wait3A_62[%run_scoped3A_16, %dma_wait3A_63, %dma_wait3A_64] : memref<2x64x80xi32, #tpu.memory_space<hbm>> -> memref<1x64x80xi32, #tpu.memory_space<hbm>>
      %dma_wait3A_66 = tpu.memref_squeeze %dma_wait3A_65 : memref<1x64x80xi32, #tpu.memory_space<hbm>> -> memref<64x80xi32, #tpu.memory_space<hbm>>
      tpu.wait_dma2 semaphore(%run_scoped3A_31 : memref<!tpu.dma_semaphore, #tpu.memory_space<semaphore_mem>>) src(%dma_wait3A_66 : memref<64x80xi32, #tpu.memory_space<hbm>>) dst(%arg7 : memref<64x80xi32, #tpu.memory_space<vmem>>)
      tpu.yield
    }) : () -> ()
    %dma_start3A_17 = arith.constant 0 : i32
    %dma_start3A_18 = arith.constant 0 : i32
    %dma_start3A_19 = tpu.memref_slice %arg6[%dma_start3A_17, %dma_start3A_18] : memref<64x80xi32, #tpu.memory_space<vmem>> -> memref<1x80xi32, #tpu.memory_space<vmem>>
    %dma_start3A_20 = tpu.memref_squeeze %dma_start3A_19 : memref<1x80xi32, #tpu.memory_space<vmem>> -> memref<80xi32, #tpu.memory_space<vmem>>
    %dma_start3A_21 = arith.constant 0 : i32
    %dma_start3A_22 = arith.constant 0 : i32
    %dma_start3A_23 = tpu.memref_slice %arg4[%dma_start3A_21, %dma_start3A_22] : memref<10240x128xf32, #tpu.memory_space<hbm>> -> memref<10240x128xf32, #tpu.memory_space<hbm>>
    tpu.enqueue_indirect_dma source(%dma_start3A_23 : memref<10240x128xf32, #tpu.memory_space<hbm>>) target(%arg8 : memref<80x128xf32, #tpu.memory_space<vmem>>) offsets(%dma_start3A_20 : memref<80xi32, #tpu.memory_space<vmem>>) semaphore(%arg11 : memref<!tpu.dma_semaphore, #tpu.memory_space<semaphore_mem>>)
    %scan3A_24 = arith.constant 0 : i32
    %scan3A_25 = arith.constant 0 : i32
    %scan3A_26 = arith.constant 32 : i32
    %scan3A_27 = arith.addi %scan3A_25, %scan3A_26 : i32
    %scan3A_28 = arith.constant 1 : i32
    scf.for %scan3A_31 = %scan3A_25 to %scan3A_27 step %scan3A_28  : i32 {
      %mul3A_32 = arith.constant 2 : i32
      %mul3A_33 = arith.muli %mul3A_32, %scan3A_31 : i32
      %add3A_34 = arith.constant 1 : i32
      %add3A_35 = arith.addi %mul3A_33, %add3A_34 : i32
      %dma_start3A_36 = arith.constant 0 : i32
      %dma_start3A_37 = tpu.memref_slice %arg6[%add3A_35, %dma_start3A_36] : memref<64x80xi32, #tpu.memory_space<vmem>> -> memref<1x80xi32, #tpu.memory_space<vmem>>
      %dma_start3A_38 = tpu.memref_squeeze %dma_start3A_37 : memref<1x80xi32, #tpu.memory_space<vmem>> -> memref<80xi32, #tpu.memory_space<vmem>>
      %dma_start3A_39 = arith.constant 0 : i32
      %dma_start3A_40 = arith.constant 0 : i32
      %dma_start3A_41 = tpu.memref_slice %arg4[%dma_start3A_39, %dma_start3A_40] : memref<10240x128xf32, #tpu.memory_space<hbm>> -> memref<10240x128xf32, #tpu.memory_space<hbm>>
      tpu.enqueue_indirect_dma source(%dma_start3A_41 : memref<10240x128xf32, #tpu.memory_space<hbm>>) target(%arg9 : memref<80x128xf32, #tpu.memory_space<vmem>>) offsets(%dma_start3A_38 : memref<80xi32, #tpu.memory_space<vmem>>) semaphore(%arg12 : memref<!tpu.dma_semaphore, #tpu.memory_space<semaphore_mem>>)
      %dma_wait3A = arith.constant 0 : i32
      %dma_wait3A_42 = tpu.memref_slice %arg6[%mul3A_33, %dma_wait3A] : memref<64x80xi32, #tpu.memory_space<vmem>> -> memref<1x80xi32, #tpu.memory_space<vmem>>
      %dma_wait3A_43 = tpu.memref_squeeze %dma_wait3A_42 : memref<1x80xi32, #tpu.memory_space<vmem>> -> memref<80xi32, #tpu.memory_space<vmem>>
      %dma_wait3A_44 = arith.constant 0 : i32
      %dma_wait3A_45 = arith.constant 0 : i32
      %dma_wait3A_46 = tpu.memref_slice %arg4[%dma_wait3A_44, %dma_wait3A_45] : memref<10240x128xf32, #tpu.memory_space<hbm>> -> memref<10240x128xf32, #tpu.memory_space<hbm>>
      tpu.wait_indirect_dma semaphore(%arg11 : memref<!tpu.dma_semaphore, #tpu.memory_space<semaphore_mem>>) src(%dma_wait3A_46 : memref<10240x128xf32, #tpu.memory_space<hbm>>) dst(%arg8 : memref<80x128xf32, #tpu.memory_space<vmem>>)
      "tpu.region"() ({
        %run_scoped3A_61 = tpu.sem_alloc : memref<!tpu.dma_semaphore, #tpu.memory_space<semaphore_mem>>
        %dma_start3A_62 = arith.constant 0 : i32
        %dma_start3A_63 = tpu.memref_slice %arg7[%mul3A_33, %dma_start3A_62] : memref<64x80xi32, #tpu.memory_space<vmem>> -> memref<1x80xi32, #tpu.memory_space<vmem>>
        %dma_start3A_64 = tpu.memref_squeeze %dma_start3A_63 : memref<1x80xi32, #tpu.memory_space<vmem>> -> memref<80xi32, #tpu.memory_space<vmem>>
        %dma_start3A_65 = arith.constant 0 : i32
        %dma_start3A_66 = arith.constant 0 : i32
        %dma_start3A_67 = tpu.memref_slice %arg10[%dma_start3A_65, %dma_start3A_66] : memref<10240x128xf32, #tpu.memory_space<vmem_shared>> -> memref<10240x128xf32, #tpu.memory_space<vmem_shared>>
        tpu.enqueue_indirect_dma source(%arg8 : memref<80x128xf32, #tpu.memory_space<vmem>>) target(%dma_start3A_67 : memref<10240x128xf32, #tpu.memory_space<vmem_shared>>) offsets(%dma_start3A_64 : memref<80xi32, #tpu.memory_space<vmem>>) semaphore(%run_scoped3A_61 : memref<!tpu.dma_semaphore, #tpu.memory_space<semaphore_mem>>) {add = true}
        %dma_wait3A_68 = arith.constant 0 : i32
        %dma_wait3A_69 = tpu.memref_slice %arg7[%mul3A_33, %dma_wait3A_68] : memref<64x80xi32, #tpu.memory_space<vmem>> -> memref<1x80xi32, #tpu.memory_space<vmem>>
        %dma_wait3A_70 = tpu.memref_squeeze %dma_wait3A_69 : memref<1x80xi32, #tpu.memory_space<vmem>> -> memref<80xi32, #tpu.memory_space<vmem>>
        %dma_wait3A_71 = arith.constant 0 : i32
        %dma_wait3A_72 = arith.constant 0 : i32
        %dma_wait3A_73 = tpu.memref_slice %arg10[%dma_wait3A_71, %dma_wait3A_72] : memref<10240x128xf32, #tpu.memory_space<vmem_shared>> -> memref<10240x128xf32, #tpu.memory_space<vmem_shared>>
        tpu.wait_indirect_dma semaphore(%run_scoped3A_61 : memref<!tpu.dma_semaphore, #tpu.memory_space<semaphore_mem>>) src(%arg8 : memref<80x128xf32, #tpu.memory_space<vmem>>) dst(%dma_wait3A_73 : memref<10240x128xf32, #tpu.memory_space<vmem_shared>>)
        tpu.yield
      }) : () -> ()
      %add3A_47 = arith.constant 2 : i32
      %add3A_48 = arith.addi %mul3A_33, %add3A_47 : i32
      %lt3A = arith.constant 64 : i32
      %lt3A_49 = arith.cmpi slt, %add3A_48, %lt3A : i32
      %convert_element_type3A = arith.extui %lt3A_49 : i1 to i32
      %cond3A = arith.constant 0 : i32
      %cond3A_50 = arith.cmpi ne, %convert_element_type3A, %cond3A : i32
      scf.if %cond3A_50 {
        %add3A_61 = arith.constant 2 : i32
        %add3A_62 = arith.addi %mul3A_33, %add3A_61 : i32
        %dma_start3A_63 = arith.constant 0 : i32
        %dma_start3A_64 = tpu.memref_slice %arg6[%add3A_62, %dma_start3A_63] : memref<64x80xi32, #tpu.memory_space<vmem>> -> memref<1x80xi32, #tpu.memory_space<vmem>>
        %dma_start3A_65 = tpu.memref_squeeze %dma_start3A_64 : memref<1x80xi32, #tpu.memory_space<vmem>> -> memref<80xi32, #tpu.memory_space<vmem>>
        %dma_start3A_66 = arith.constant 0 : i32
        %dma_start3A_67 = arith.constant 0 : i32
        %dma_start3A_68 = tpu.memref_slice %arg4[%dma_start3A_66, %dma_start3A_67] : memref<10240x128xf32, #tpu.memory_space<hbm>> -> memref<10240x128xf32, #tpu.memory_space<hbm>>
        tpu.enqueue_indirect_dma source(%dma_start3A_68 : memref<10240x128xf32, #tpu.memory_space<hbm>>) target(%arg8 : memref<80x128xf32, #tpu.memory_space<vmem>>) offsets(%dma_start3A_65 : memref<80xi32, #tpu.memory_space<vmem>>) semaphore(%arg11 : memref<!tpu.dma_semaphore, #tpu.memory_space<semaphore_mem>>)
      } else {
      }
      %add3A_51 = arith.constant 1 : i32
      %add3A_52 = arith.addi %mul3A_33, %add3A_51 : i32
      %dma_wait3A_53 = arith.constant 0 : i32
      %dma_wait3A_54 = tpu.memref_slice %arg6[%add3A_52, %dma_wait3A_53] : memref<64x80xi32, #tpu.memory_space<vmem>> -> memref<1x80xi32, #tpu.memory_space<vmem>>
      %dma_wait3A_55 = tpu.memref_squeeze %dma_wait3A_54 : memref<1x80xi32, #tpu.memory_space<vmem>> -> memref<80xi32, #tpu.memory_space<vmem>>
      %dma_wait3A_56 = arith.constant 0 : i32
      %dma_wait3A_57 = arith.constant 0 : i32
      %dma_wait3A_58 = tpu.memref_slice %arg4[%dma_wait3A_56, %dma_wait3A_57] : memref<10240x128xf32, #tpu.memory_space<hbm>> -> memref<10240x128xf32, #tpu.memory_space<hbm>>
      tpu.wait_indirect_dma semaphore(%arg12 : memref<!tpu.dma_semaphore, #tpu.memory_space<semaphore_mem>>) src(%dma_wait3A_58 : memref<10240x128xf32, #tpu.memory_space<hbm>>) dst(%arg9 : memref<80x128xf32, #tpu.memory_space<vmem>>)
      %add3A_59 = arith.constant 1 : i32
      %add3A_60 = arith.addi %mul3A_33, %add3A_59 : i32
      "tpu.region"() ({
        %run_scoped3A_61 = tpu.sem_alloc : memref<!tpu.dma_semaphore, #tpu.memory_space<semaphore_mem>>
        %dma_start3A_62 = arith.constant 0 : i32
        %dma_start3A_63 = tpu.memref_slice %arg7[%add3A_60, %dma_start3A_62] : memref<64x80xi32, #tpu.memory_space<vmem>> -> memref<1x80xi32, #tpu.memory_space<vmem>>
        %dma_start3A_64 = tpu.memref_squeeze %dma_start3A_63 : memref<1x80xi32, #tpu.memory_space<vmem>> -> memref<80xi32, #tpu.memory_space<vmem>>
        %dma_start3A_65 = arith.constant 0 : i32
        %dma_start3A_66 = arith.constant 0 : i32
        %dma_start3A_67 = tpu.memref_slice %arg10[%dma_start3A_65, %dma_start3A_66] : memref<10240x128xf32, #tpu.memory_space<vmem_shared>> -> memref<10240x128xf32, #tpu.memory_space<vmem_shared>>
        tpu.enqueue_indirect_dma source(%arg9 : memref<80x128xf32, #tpu.memory_space<vmem>>) target(%dma_start3A_67 : memref<10240x128xf32, #tpu.memory_space<vmem_shared>>) offsets(%dma_start3A_64 : memref<80xi32, #tpu.memory_space<vmem>>) semaphore(%run_scoped3A_61 : memref<!tpu.dma_semaphore, #tpu.memory_space<semaphore_mem>>) {add = true}
        %dma_wait3A_68 = arith.constant 0 : i32
        %dma_wait3A_69 = tpu.memref_slice %arg7[%add3A_60, %dma_wait3A_68] : memref<64x80xi32, #tpu.memory_space<vmem>> -> memref<1x80xi32, #tpu.memory_space<vmem>>
        %dma_wait3A_70 = tpu.memref_squeeze %dma_wait3A_69 : memref<1x80xi32, #tpu.memory_space<vmem>> -> memref<80xi32, #tpu.memory_space<vmem>>
        %dma_wait3A_71 = arith.constant 0 : i32
        %dma_wait3A_72 = arith.constant 0 : i32
        %dma_wait3A_73 = tpu.memref_slice %arg10[%dma_wait3A_71, %dma_wait3A_72] : memref<10240x128xf32, #tpu.memory_space<vmem_shared>> -> memref<10240x128xf32, #tpu.memory_space<vmem_shared>>
        tpu.wait_indirect_dma semaphore(%run_scoped3A_61 : memref<!tpu.dma_semaphore, #tpu.memory_space<semaphore_mem>>) src(%arg9 : memref<80x128xf32, #tpu.memory_space<vmem>>) dst(%dma_wait3A_73 : memref<10240x128xf32, #tpu.memory_space<vmem_shared>>)
        tpu.yield
      }) : () -> ()
    }
    %scan3A_29 = arith.constant 32 : i32
    %barrier3A_30 = arith.constant 0 : index
    tpu.barrier barrier_id(%barrier3A_30)
    "tpu.region"() ({
      %run_scoped3A_31 = tpu.sem_alloc : memref<!tpu.dma_semaphore, #tpu.memory_space<semaphore_mem>>
      %dma_start3A_32 = arith.constant 0 : i32
      %dma_start3A_33 = arith.constant 0 : i32
      %dma_start3A_34 = tpu.memref_slice %arg5[%arg0, %dma_start3A_32, %dma_start3A_33] : memref<2x10240x128xf32, #tpu.memory_space<hbm>> -> memref<1x10240x128xf32, #tpu.memory_space<hbm>>
      %dma_start3A_35 = tpu.memref_squeeze %dma_start3A_34 : memref<1x10240x128xf32, #tpu.memory_space<hbm>> -> memref<10240x128xf32, #tpu.memory_space<hbm>>
      %dma_start3A_36 = arith.constant 0 : i32
      %dma_start3A_37 = tpu.memref_slice %dma_start3A_35[%mul3A_2, %dma_start3A_36] : memref<10240x128xf32, #tpu.memory_space<hbm>> -> memref<640x128xf32, #tpu.memory_space<hbm>>
      %dma_start3A_38 = arith.constant 0 : i32
      %dma_start3A_39 = tpu.memref_slice %arg10[%mul3A_2, %dma_start3A_38] : memref<10240x128xf32, #tpu.memory_space<vmem_shared>> -> memref<640x128xf32, #tpu.memory_space<vmem_shared>>
      tpu.enqueue_dma source(%dma_start3A_39 : memref<640x128xf32, #tpu.memory_space<vmem_shared>>) target(%dma_start3A_37 : memref<640x128xf32, #tpu.memory_space<hbm>>) target_semaphore(%run_scoped3A_31 : memref<!tpu.dma_semaphore, #tpu.memory_space<semaphore_mem>>)
      %dma_wait3A = arith.constant 0 : i32
      %dma_wait3A_40 = arith.constant 0 : i32
      %dma_wait3A_41 = tpu.memref_slice %arg5[%arg0, %dma_wait3A, %dma_wait3A_40] : memref<2x10240x128xf32, #tpu.memory_space<hbm>> -> memref<1x10240x128xf32, #tpu.memory_space<hbm>>
      %dma_wait3A_42 = tpu.memref_squeeze %dma_wait3A_41 : memref<1x10240x128xf32, #tpu.memory_space<hbm>> -> memref<10240x128xf32, #tpu.memory_space<hbm>>
      %dma_wait3A_43 = arith.constant 0 : i32
      %dma_wait3A_44 = tpu.memref_slice %dma_wait3A_42[%mul3A_2, %dma_wait3A_43] : memref<10240x128xf32, #tpu.memory_space<hbm>> -> memref<640x128xf32, #tpu.memory_space<hbm>>
      %dma_wait3A_45 = arith.constant 0 : i32
      %dma_wait3A_46 = tpu.memref_slice %arg10[%mul3A_2, %dma_wait3A_45] : memref<10240x128xf32, #tpu.memory_space<vmem_shared>> -> memref<640x128xf32, #tpu.memory_space<vmem_shared>>
      tpu.wait_dma2 semaphore(%run_scoped3A_31 : memref<!tpu.dma_semaphore, #tpu.memory_space<semaphore_mem>>) src(%dma_wait3A_46 : memref<640x128xf32, #tpu.memory_space<vmem_shared>>) dst(%dma_wait3A_44 : memref<640x128xf32, #tpu.memory_space<hbm>>)
      tpu.yield
    }) : () -> ()
    return
  }
}

#map = affine_map<(d0, d1) -> (0, 0, 0)>
#map1 = affine_map<(d0, d1) -> (0, 0)>
module attributes {stable_mosaic.version = 14 : i64} {
  func.func @_sc_deg(%arg0: i32, %arg1: i32, %arg2: memref<32x80x128xi32, #tpu.memory_space<hbm>>, %arg3: memref<10240x8xf32, #tpu.memory_space<hbm>>, %arg4: memref<2x10240x8xf32, #tpu.memory_space<hbm>>, %arg5: memref<80x128xi32, #tpu.memory_space<vmem>>, %arg6: memref<128x8xf32, #tpu.memory_space<vmem>>, %arg7: memref<10240x8xf32, #tpu.memory_space<vmem_shared>>) attributes {dimension_semantics = [#tpu.dimension_semantics<core_parallel>, #tpu.dimension_semantics<subcore_parallel>], iteration_bounds = array<i64: 2, 16>, scalar_prefetch = 0 : i64, scratch_operands = 3 : i64, tpu.core_type = #tpu.core_type<sc_vector_subcore>, window_params = [{transform_indices = #map}, {transform_indices = #map1}, {transform_indices = #map}]} {
    %mul3A = arith.constant 16 : i32
    %mul3A_0 = arith.muli %arg0, %mul3A : i32
    %add3A = arith.addi %mul3A_0, %arg1 : i32
    %mul3A_1 = arith.constant 640 : i32
    %mul3A_2 = arith.muli %arg1, %mul3A_1 : i32
    "tpu.region"() ({
      %run_scoped3A = tpu.sem_alloc : memref<!tpu.dma_semaphore, #tpu.memory_space<semaphore_mem>>
      %dma_start3A = arith.constant 0 : i32
      %dma_start3A_9 = tpu.memref_slice %arg7[%mul3A_2, %dma_start3A] : memref<10240x8xf32, #tpu.memory_space<vmem_shared>> -> memref<640x8xf32, #tpu.memory_space<vmem_shared>>
      %dma_start3A_10 = arith.constant 0 : i32
      %dma_start3A_11 = arith.constant 0 : i32
      %dma_start3A_12 = tpu.memref_slice %arg3[%dma_start3A_10, %dma_start3A_11] : memref<10240x8xf32, #tpu.memory_space<hbm>> -> memref<640x8xf32, #tpu.memory_space<hbm>>
      tpu.enqueue_dma source(%dma_start3A_12 : memref<640x8xf32, #tpu.memory_space<hbm>>) target(%dma_start3A_9 : memref<640x8xf32, #tpu.memory_space<vmem_shared>>) target_semaphore(%run_scoped3A : memref<!tpu.dma_semaphore, #tpu.memory_space<semaphore_mem>>)
      %dma_wait3A = arith.constant 0 : i32
      %dma_wait3A_13 = tpu.memref_slice %arg7[%mul3A_2, %dma_wait3A] : memref<10240x8xf32, #tpu.memory_space<vmem_shared>> -> memref<640x8xf32, #tpu.memory_space<vmem_shared>>
      %dma_wait3A_14 = arith.constant 0 : i32
      %dma_wait3A_15 = arith.constant 0 : i32
      %dma_wait3A_16 = tpu.memref_slice %arg3[%dma_wait3A_14, %dma_wait3A_15] : memref<10240x8xf32, #tpu.memory_space<hbm>> -> memref<640x8xf32, #tpu.memory_space<hbm>>
      tpu.wait_dma2 semaphore(%run_scoped3A : memref<!tpu.dma_semaphore, #tpu.memory_space<semaphore_mem>>) src(%dma_wait3A_16 : memref<640x8xf32, #tpu.memory_space<hbm>>) dst(%dma_wait3A_13 : memref<640x8xf32, #tpu.memory_space<vmem_shared>>)
      tpu.yield
    }) : () -> ()
    "tpu.region"() ({
      %run_scoped3A = tpu.sem_alloc : memref<!tpu.dma_semaphore, #tpu.memory_space<semaphore_mem>>
      %dma_start3A = arith.constant 0 : i32
      %dma_start3A_9 = arith.constant 0 : i32
      %dma_start3A_10 = tpu.memref_slice %arg3[%dma_start3A, %dma_start3A_9] : memref<10240x8xf32, #tpu.memory_space<hbm>> -> memref<128x8xf32, #tpu.memory_space<hbm>>
      %dma_start3A_11 = arith.constant 0 : i32
      %dma_start3A_12 = arith.constant 0 : i32
      %dma_start3A_13 = tpu.memref_slice %arg3[%dma_start3A_11, %dma_start3A_12] : memref<10240x8xf32, #tpu.memory_space<hbm>> -> memref<128x8xf32, #tpu.memory_space<hbm>>
      tpu.enqueue_dma source(%dma_start3A_13 : memref<128x8xf32, #tpu.memory_space<hbm>>) target(%arg6 : memref<128x8xf32, #tpu.memory_space<vmem>>) target_semaphore(%run_scoped3A : memref<!tpu.dma_semaphore, #tpu.memory_space<semaphore_mem>>)
      %dma_wait3A = arith.constant 0 : i32
      %dma_wait3A_14 = arith.constant 0 : i32
      %dma_wait3A_15 = tpu.memref_slice %arg3[%dma_wait3A, %dma_wait3A_14] : memref<10240x8xf32, #tpu.memory_space<hbm>> -> memref<128x8xf32, #tpu.memory_space<hbm>>
      %dma_wait3A_16 = arith.constant 0 : i32
      %dma_wait3A_17 = arith.constant 0 : i32
      %dma_wait3A_18 = tpu.memref_slice %arg3[%dma_wait3A_16, %dma_wait3A_17] : memref<10240x8xf32, #tpu.memory_space<hbm>> -> memref<128x8xf32, #tpu.memory_space<hbm>>
      tpu.wait_dma2 semaphore(%run_scoped3A : memref<!tpu.dma_semaphore, #tpu.memory_space<semaphore_mem>>) src(%dma_wait3A_18 : memref<128x8xf32, #tpu.memory_space<hbm>>) dst(%arg6 : memref<128x8xf32, #tpu.memory_space<vmem>>)
      tpu.yield
    }) : () -> ()
    "tpu.region"() ({
      %run_scoped3A = tpu.sem_alloc : memref<!tpu.dma_semaphore, #tpu.memory_space<semaphore_mem>>
      %dma_start3A = arith.constant 0 : i32
      %dma_start3A_9 = arith.constant 0 : i32
      %dma_start3A_10 = tpu.memref_slice %arg2[%add3A, %dma_start3A, %dma_start3A_9] : memref<32x80x128xi32, #tpu.memory_space<hbm>> -> memref<1x80x128xi32, #tpu.memory_space<hbm>>
      %dma_start3A_11 = tpu.memref_squeeze %dma_start3A_10 : memref<1x80x128xi32, #tpu.memory_space<hbm>> -> memref<80x128xi32, #tpu.memory_space<hbm>>
      %dma_start3A_12 = arith.constant 0 : i32
      %dma_start3A_13 = arith.constant 0 : i32
      %dma_start3A_14 = tpu.memref_slice %arg2[%add3A, %dma_start3A_12, %dma_start3A_13] : memref<32x80x128xi32, #tpu.memory_space<hbm>> -> memref<1x80x128xi32, #tpu.memory_space<hbm>>
      %dma_start3A_15 = tpu.memref_squeeze %dma_start3A_14 : memref<1x80x128xi32, #tpu.memory_space<hbm>> -> memref<80x128xi32, #tpu.memory_space<hbm>>
      tpu.enqueue_dma source(%dma_start3A_15 : memref<80x128xi32, #tpu.memory_space<hbm>>) target(%arg5 : memref<80x128xi32, #tpu.memory_space<vmem>>) target_semaphore(%run_scoped3A : memref<!tpu.dma_semaphore, #tpu.memory_space<semaphore_mem>>)
      %dma_wait3A = arith.constant 0 : i32
      %dma_wait3A_16 = arith.constant 0 : i32
      %dma_wait3A_17 = tpu.memref_slice %arg2[%add3A, %dma_wait3A, %dma_wait3A_16] : memref<32x80x128xi32, #tpu.memory_space<hbm>> -> memref<1x80x128xi32, #tpu.memory_space<hbm>>
      %dma_wait3A_18 = tpu.memref_squeeze %dma_wait3A_17 : memref<1x80x128xi32, #tpu.memory_space<hbm>> -> memref<80x128xi32, #tpu.memory_space<hbm>>
      %dma_wait3A_19 = arith.constant 0 : i32
      %dma_wait3A_20 = arith.constant 0 : i32
      %dma_wait3A_21 = tpu.memref_slice %arg2[%add3A, %dma_wait3A_19, %dma_wait3A_20] : memref<32x80x128xi32, #tpu.memory_space<hbm>> -> memref<1x80x128xi32, #tpu.memory_space<hbm>>
      %dma_wait3A_22 = tpu.memref_squeeze %dma_wait3A_21 : memref<1x80x128xi32, #tpu.memory_space<hbm>> -> memref<80x128xi32, #tpu.memory_space<hbm>>
      tpu.wait_dma2 semaphore(%run_scoped3A : memref<!tpu.dma_semaphore, #tpu.memory_space<semaphore_mem>>) src(%dma_wait3A_22 : memref<80x128xi32, #tpu.memory_space<hbm>>) dst(%arg5 : memref<80x128xi32, #tpu.memory_space<vmem>>)
      tpu.yield
    }) : () -> ()
    %barrier3A = arith.constant 0 : index
    tpu.barrier barrier_id(%barrier3A)
    %scan3A = arith.constant 0 : i32
    %scan3A_3 = arith.constant 0 : i32
    %scan3A_4 = arith.constant 80 : i32
    %scan3A_5 = arith.addi %scan3A_3, %scan3A_4 : i32
    %scan3A_6 = arith.constant 1 : i32
    scf.for %scan3A_9 = %scan3A_3 to %scan3A_5 step %scan3A_6  : i32 {
      "tpu.region"() ({
        %run_scoped3A = tpu.sem_alloc : memref<!tpu.dma_semaphore, #tpu.memory_space<semaphore_mem>>
        %dma_start3A = arith.constant 0 : i32
        %dma_start3A_10 = tpu.memref_slice %arg5[%scan3A_9, %dma_start3A] : memref<80x128xi32, #tpu.memory_space<vmem>> -> memref<1x128xi32, #tpu.memory_space<vmem>>
        %dma_start3A_11 = tpu.memref_squeeze %dma_start3A_10 : memref<1x128xi32, #tpu.memory_space<vmem>> -> memref<128xi32, #tpu.memory_space<vmem>>
        %dma_start3A_12 = arith.constant 0 : i32
        %dma_start3A_13 = arith.constant 0 : i32
        %dma_start3A_14 = tpu.memref_slice %arg7[%dma_start3A_12, %dma_start3A_13] : memref<10240x8xf32, #tpu.memory_space<vmem_shared>> -> memref<10240x8xf32, #tpu.memory_space<vmem_shared>>
        tpu.enqueue_indirect_dma source(%arg6 : memref<128x8xf32, #tpu.memory_space<vmem>>) target(%dma_start3A_14 : memref<10240x8xf32, #tpu.memory_space<vmem_shared>>) offsets(%dma_start3A_11 : memref<128xi32, #tpu.memory_space<vmem>>) semaphore(%run_scoped3A : memref<!tpu.dma_semaphore, #tpu.memory_space<semaphore_mem>>) {add = true}
        %dma_wait3A = arith.constant 0 : i32
        %dma_wait3A_15 = tpu.memref_slice %arg5[%scan3A_9, %dma_wait3A] : memref<80x128xi32, #tpu.memory_space<vmem>> -> memref<1x128xi32, #tpu.memory_space<vmem>>
        %dma_wait3A_16 = tpu.memref_squeeze %dma_wait3A_15 : memref<1x128xi32, #tpu.memory_space<vmem>> -> memref<128xi32, #tpu.memory_space<vmem>>
        %dma_wait3A_17 = arith.constant 0 : i32
        %dma_wait3A_18 = arith.constant 0 : i32
        %dma_wait3A_19 = tpu.memref_slice %arg7[%dma_wait3A_17, %dma_wait3A_18] : memref<10240x8xf32, #tpu.memory_space<vmem_shared>> -> memref<10240x8xf32, #tpu.memory_space<vmem_shared>>
        tpu.wait_indirect_dma semaphore(%run_scoped3A : memref<!tpu.dma_semaphore, #tpu.memory_space<semaphore_mem>>) src(%arg6 : memref<128x8xf32, #tpu.memory_space<vmem>>) dst(%dma_wait3A_19 : memref<10240x8xf32, #tpu.memory_space<vmem_shared>>)
        tpu.yield
      }) : () -> ()
    }
    %scan3A_7 = arith.constant 80 : i32
    %barrier3A_8 = arith.constant 0 : index
    tpu.barrier barrier_id(%barrier3A_8)
    "tpu.region"() ({
      %run_scoped3A = tpu.sem_alloc : memref<!tpu.dma_semaphore, #tpu.memory_space<semaphore_mem>>
      %dma_start3A = arith.constant 0 : i32
      %dma_start3A_9 = arith.constant 0 : i32
      %dma_start3A_10 = tpu.memref_slice %arg4[%arg0, %dma_start3A, %dma_start3A_9] : memref<2x10240x8xf32, #tpu.memory_space<hbm>> -> memref<1x10240x8xf32, #tpu.memory_space<hbm>>
      %dma_start3A_11 = tpu.memref_squeeze %dma_start3A_10 : memref<1x10240x8xf32, #tpu.memory_space<hbm>> -> memref<10240x8xf32, #tpu.memory_space<hbm>>
      %dma_start3A_12 = arith.constant 0 : i32
      %dma_start3A_13 = tpu.memref_slice %dma_start3A_11[%mul3A_2, %dma_start3A_12] : memref<10240x8xf32, #tpu.memory_space<hbm>> -> memref<640x8xf32, #tpu.memory_space<hbm>>
      %dma_start3A_14 = arith.constant 0 : i32
      %dma_start3A_15 = tpu.memref_slice %arg7[%mul3A_2, %dma_start3A_14] : memref<10240x8xf32, #tpu.memory_space<vmem_shared>> -> memref<640x8xf32, #tpu.memory_space<vmem_shared>>
      tpu.enqueue_dma source(%dma_start3A_15 : memref<640x8xf32, #tpu.memory_space<vmem_shared>>) target(%dma_start3A_13 : memref<640x8xf32, #tpu.memory_space<hbm>>) target_semaphore(%run_scoped3A : memref<!tpu.dma_semaphore, #tpu.memory_space<semaphore_mem>>)
      %dma_wait3A = arith.constant 0 : i32
      %dma_wait3A_16 = arith.constant 0 : i32
      %dma_wait3A_17 = tpu.memref_slice %arg4[%arg0, %dma_wait3A, %dma_wait3A_16] : memref<2x10240x8xf32, #tpu.memory_space<hbm>> -> memref<1x10240x8xf32, #tpu.memory_space<hbm>>
      %dma_wait3A_18 = tpu.memref_squeeze %dma_wait3A_17 : memref<1x10240x8xf32, #tpu.memory_space<hbm>> -> memref<10240x8xf32, #tpu.memory_space<hbm>>
      %dma_wait3A_19 = arith.constant 0 : i32
      %dma_wait3A_20 = tpu.memref_slice %dma_wait3A_18[%mul3A_2, %dma_wait3A_19] : memref<10240x8xf32, #tpu.memory_space<hbm>> -> memref<640x8xf32, #tpu.memory_space<hbm>>
      %dma_wait3A_21 = arith.constant 0 : i32
      %dma_wait3A_22 = tpu.memref_slice %arg7[%mul3A_2, %dma_wait3A_21] : memref<10240x8xf32, #tpu.memory_space<vmem_shared>> -> memref<640x8xf32, #tpu.memory_space<vmem_shared>>
      tpu.wait_dma2 semaphore(%run_scoped3A : memref<!tpu.dma_semaphore, #tpu.memory_space<semaphore_mem>>) src(%dma_wait3A_22 : memref<640x8xf32, #tpu.memory_space<vmem_shared>>) dst(%dma_wait3A_20 : memref<640x8xf32, #tpu.memory_space<hbm>>)
      tpu.yield
    }) : () -> ()
    return
  }
}

#map = affine_map<(d0, d1) -> (0, 0, 0, 0)>
#map1 = affine_map<(d0, d1) -> (0, 0)>
#map2 = affine_map<(d0, d1) -> (0, 0, 0)>
module attributes {stable_mosaic.version = 14 : i64} {
  func.func @_sc_agg(%arg0: i32, %arg1: i32, %arg2: memref<32x2x64x80xi32, #tpu.memory_space<hbm>>, %arg3: memref<32x2x64x80xi32, #tpu.memory_space<hbm>>, %arg4: memref<10240x128xf32, #tpu.memory_space<hbm>>, %arg5: memref<2x10240x128xf32, #tpu.memory_space<hbm>>, %arg6: memref<64x80xi32, #tpu.memory_space<vmem>>, %arg7: memref<64x80xi32, #tpu.memory_space<vmem>>, %arg8: memref<80x128xf32, #tpu.memory_space<vmem>>, %arg9: memref<80x128xf32, #tpu.memory_space<vmem>>, %arg10: memref<10240x128xf32, #tpu.memory_space<vmem_shared>>, %arg11: memref<!tpu.dma_semaphore, #tpu.memory_space<semaphore_mem>>, %arg12: memref<!tpu.dma_semaphore, #tpu.memory_space<semaphore_mem>>) attributes {dimension_semantics = [#tpu.dimension_semantics<core_parallel>, #tpu.dimension_semantics<subcore_parallel>], iteration_bounds = array<i64: 2, 16>, scalar_prefetch = 0 : i64, scratch_operands = 7 : i64, tpu.core_type = #tpu.core_type<sc_vector_subcore>, window_params = [{transform_indices = #map}, {transform_indices = #map}, {transform_indices = #map1}, {transform_indices = #map2}]} {
    %mul3A = arith.constant 16 : i32
    %mul3A_0 = arith.muli %arg0, %mul3A : i32
    %add3A = arith.addi %mul3A_0, %arg1 : i32
    %mul3A_1 = arith.constant 640 : i32
    %mul3A_2 = arith.muli %arg1, %mul3A_1 : i32
    "tpu.region"() ({
      %run_scoped3A_31 = tpu.sem_alloc : memref<!tpu.dma_semaphore, #tpu.memory_space<semaphore_mem>>
      %dma_start3A_32 = arith.constant 0 : i32
      %dma_start3A_33 = tpu.memref_slice %arg10[%mul3A_2, %dma_start3A_32] : memref<10240x128xf32, #tpu.memory_space<vmem_shared>> -> memref<640x128xf32, #tpu.memory_space<vmem_shared>>
      %dma_start3A_34 = arith.constant 0 : i32
      %dma_start3A_35 = tpu.memref_slice %arg4[%mul3A_2, %dma_start3A_34] : memref<10240x128xf32, #tpu.memory_space<hbm>> -> memref<640x128xf32, #tpu.memory_space<hbm>>
      tpu.enqueue_dma source(%dma_start3A_35 : memref<640x128xf32, #tpu.memory_space<hbm>>) target(%dma_start3A_33 : memref<640x128xf32, #tpu.memory_space<vmem_shared>>) target_semaphore(%run_scoped3A_31 : memref<!tpu.dma_semaphore, #tpu.memory_space<semaphore_mem>>)
      %dma_wait3A = arith.constant 0 : i32
      %dma_wait3A_36 = tpu.memref_slice %arg10[%mul3A_2, %dma_wait3A] : memref<10240x128xf32, #tpu.memory_space<vmem_shared>> -> memref<640x128xf32, #tpu.memory_space<vmem_shared>>
      %dma_wait3A_37 = arith.constant 0 : i32
      %dma_wait3A_38 = tpu.memref_slice %arg4[%mul3A_2, %dma_wait3A_37] : memref<10240x128xf32, #tpu.memory_space<hbm>> -> memref<640x128xf32, #tpu.memory_space<hbm>>
      tpu.wait_dma2 semaphore(%run_scoped3A_31 : memref<!tpu.dma_semaphore, #tpu.memory_space<semaphore_mem>>) src(%dma_wait3A_38 : memref<640x128xf32, #tpu.memory_space<hbm>>) dst(%dma_wait3A_36 : memref<640x128xf32, #tpu.memory_space<vmem_shared>>)
      tpu.yield
    }) : () -> ()
    %barrier3A = arith.constant 0 : index
    tpu.barrier barrier_id(%barrier3A)
    %run_scoped3A = arith.constant 0 : i32
    "tpu.region"() ({
      %run_scoped3A_31 = tpu.sem_alloc : memref<!tpu.dma_semaphore, #tpu.memory_space<semaphore_mem>>
      %dma_start3A_32 = arith.constant 0 : i32
      %dma_start3A_33 = arith.constant 0 : i32
      %dma_start3A_34 = arith.constant 0 : i32
      %dma_start3A_35 = tpu.memref_slice %arg2[%add3A, %dma_start3A_32, %dma_start3A_33, %dma_start3A_34] : memref<32x2x64x80xi32, #tpu.memory_space<hbm>> -> memref<1x2x64x80xi32, #tpu.memory_space<hbm>>
      %dma_start3A_36 = tpu.memref_squeeze %dma_start3A_35 : memref<1x2x64x80xi32, #tpu.memory_space<hbm>> -> memref<2x64x80xi32, #tpu.memory_space<hbm>>
      %dma_start3A_37 = arith.constant 0 : i32
      %dma_start3A_38 = arith.constant 0 : i32
      %dma_start3A_39 = tpu.memref_slice %dma_start3A_36[%run_scoped3A, %dma_start3A_37, %dma_start3A_38] : memref<2x64x80xi32, #tpu.memory_space<hbm>> -> memref<1x64x80xi32, #tpu.memory_space<hbm>>
      %dma_start3A_40 = tpu.memref_squeeze %dma_start3A_39 : memref<1x64x80xi32, #tpu.memory_space<hbm>> -> memref<64x80xi32, #tpu.memory_space<hbm>>
      %dma_start3A_41 = arith.constant 0 : i32
      %dma_start3A_42 = arith.constant 0 : i32
      %dma_start3A_43 = arith.constant 0 : i32
      %dma_start3A_44 = tpu.memref_slice %arg2[%add3A, %dma_start3A_41, %dma_start3A_42, %dma_start3A_43] : memref<32x2x64x80xi32, #tpu.memory_space<hbm>> -> memref<1x2x64x80xi32, #tpu.memory_space<hbm>>
      %dma_start3A_45 = tpu.memref_squeeze %dma_start3A_44 : memref<1x2x64x80xi32, #tpu.memory_space<hbm>> -> memref<2x64x80xi32, #tpu.memory_space<hbm>>
      %dma_start3A_46 = arith.constant 0 : i32
      %dma_start3A_47 = arith.constant 0 : i32
      %dma_start3A_48 = tpu.memref_slice %dma_start3A_45[%run_scoped3A, %dma_start3A_46, %dma_start3A_47] : memref<2x64x80xi32, #tpu.memory_space<hbm>> -> memref<1x64x80xi32, #tpu.memory_space<hbm>>
      %dma_start3A_49 = tpu.memref_squeeze %dma_start3A_48 : memref<1x64x80xi32, #tpu.memory_space<hbm>> -> memref<64x80xi32, #tpu.memory_space<hbm>>
      tpu.enqueue_dma source(%dma_start3A_49 : memref<64x80xi32, #tpu.memory_space<hbm>>) target(%arg6 : memref<64x80xi32, #tpu.memory_space<vmem>>) target_semaphore(%run_scoped3A_31 : memref<!tpu.dma_semaphore, #tpu.memory_space<semaphore_mem>>)
      %dma_wait3A = arith.constant 0 : i32
      %dma_wait3A_50 = arith.constant 0 : i32
      %dma_wait3A_51 = arith.constant 0 : i32
      %dma_wait3A_52 = tpu.memref_slice %arg2[%add3A, %dma_wait3A, %dma_wait3A_50, %dma_wait3A_51] : memref<32x2x64x80xi32, #tpu.memory_space<hbm>> -> memref<1x2x64x80xi32, #tpu.memory_space<hbm>>
      %dma_wait3A_53 = tpu.memref_squeeze %dma_wait3A_52 : memref<1x2x64x80xi32, #tpu.memory_space<hbm>> -> memref<2x64x80xi32, #tpu.memory_space<hbm>>
      %dma_wait3A_54 = arith.constant 0 : i32
      %dma_wait3A_55 = arith.constant 0 : i32
      %dma_wait3A_56 = tpu.memref_slice %dma_wait3A_53[%run_scoped3A, %dma_wait3A_54, %dma_wait3A_55] : memref<2x64x80xi32, #tpu.memory_space<hbm>> -> memref<1x64x80xi32, #tpu.memory_space<hbm>>
      %dma_wait3A_57 = tpu.memref_squeeze %dma_wait3A_56 : memref<1x64x80xi32, #tpu.memory_space<hbm>> -> memref<64x80xi32, #tpu.memory_space<hbm>>
      %dma_wait3A_58 = arith.constant 0 : i32
      %dma_wait3A_59 = arith.constant 0 : i32
      %dma_wait3A_60 = arith.constant 0 : i32
      %dma_wait3A_61 = tpu.memref_slice %arg2[%add3A, %dma_wait3A_58, %dma_wait3A_59, %dma_wait3A_60] : memref<32x2x64x80xi32, #tpu.memory_space<hbm>> -> memref<1x2x64x80xi32, #tpu.memory_space<hbm>>
      %dma_wait3A_62 = tpu.memref_squeeze %dma_wait3A_61 : memref<1x2x64x80xi32, #tpu.memory_space<hbm>> -> memref<2x64x80xi32, #tpu.memory_space<hbm>>
      %dma_wait3A_63 = arith.constant 0 : i32
      %dma_wait3A_64 = arith.constant 0 : i32
      %dma_wait3A_65 = tpu.memref_slice %dma_wait3A_62[%run_scoped3A, %dma_wait3A_63, %dma_wait3A_64] : memref<2x64x80xi32, #tpu.memory_space<hbm>> -> memref<1x64x80xi32, #tpu.memory_space<hbm>>
      %dma_wait3A_66 = tpu.memref_squeeze %dma_wait3A_65 : memref<1x64x80xi32, #tpu.memory_space<hbm>> -> memref<64x80xi32, #tpu.memory_space<hbm>>
      tpu.wait_dma2 semaphore(%run_scoped3A_31 : memref<!tpu.dma_semaphore, #tpu.memory_space<semaphore_mem>>) src(%dma_wait3A_66 : memref<64x80xi32, #tpu.memory_space<hbm>>) dst(%arg6 : memref<64x80xi32, #tpu.memory_space<vmem>>)
      tpu.yield
    }) : () -> ()
    %run_scoped3A_3 = arith.constant 0 : i32
    "tpu.region"() ({
      %run_scoped3A_31 = tpu.sem_alloc : memref<!tpu.dma_semaphore, #tpu.memory_space<semaphore_mem>>
      %dma_start3A_32 = arith.constant 0 : i32
      %dma_start3A_33 = arith.constant 0 : i32
      %dma_start3A_34 = arith.constant 0 : i32
      %dma_start3A_35 = tpu.memref_slice %arg3[%add3A, %dma_start3A_32, %dma_start3A_33, %dma_start3A_34] : memref<32x2x64x80xi32, #tpu.memory_space<hbm>> -> memref<1x2x64x80xi32, #tpu.memory_space<hbm>>
      %dma_start3A_36 = tpu.memref_squeeze %dma_start3A_35 : memref<1x2x64x80xi32, #tpu.memory_space<hbm>> -> memref<2x64x80xi32, #tpu.memory_space<hbm>>
      %dma_start3A_37 = arith.constant 0 : i32
      %dma_start3A_38 = arith.constant 0 : i32
      %dma_start3A_39 = tpu.memref_slice %dma_start3A_36[%run_scoped3A_3, %dma_start3A_37, %dma_start3A_38] : memref<2x64x80xi32, #tpu.memory_space<hbm>> -> memref<1x64x80xi32, #tpu.memory_space<hbm>>
      %dma_start3A_40 = tpu.memref_squeeze %dma_start3A_39 : memref<1x64x80xi32, #tpu.memory_space<hbm>> -> memref<64x80xi32, #tpu.memory_space<hbm>>
      %dma_start3A_41 = arith.constant 0 : i32
      %dma_start3A_42 = arith.constant 0 : i32
      %dma_start3A_43 = arith.constant 0 : i32
      %dma_start3A_44 = tpu.memref_slice %arg3[%add3A, %dma_start3A_41, %dma_start3A_42, %dma_start3A_43] : memref<32x2x64x80xi32, #tpu.memory_space<hbm>> -> memref<1x2x64x80xi32, #tpu.memory_space<hbm>>
      %dma_start3A_45 = tpu.memref_squeeze %dma_start3A_44 : memref<1x2x64x80xi32, #tpu.memory_space<hbm>> -> memref<2x64x80xi32, #tpu.memory_space<hbm>>
      %dma_start3A_46 = arith.constant 0 : i32
      %dma_start3A_47 = arith.constant 0 : i32
      %dma_start3A_48 = tpu.memref_slice %dma_start3A_45[%run_scoped3A_3, %dma_start3A_46, %dma_start3A_47] : memref<2x64x80xi32, #tpu.memory_space<hbm>> -> memref<1x64x80xi32, #tpu.memory_space<hbm>>
      %dma_start3A_49 = tpu.memref_squeeze %dma_start3A_48 : memref<1x64x80xi32, #tpu.memory_space<hbm>> -> memref<64x80xi32, #tpu.memory_space<hbm>>
      tpu.enqueue_dma source(%dma_start3A_49 : memref<64x80xi32, #tpu.memory_space<hbm>>) target(%arg7 : memref<64x80xi32, #tpu.memory_space<vmem>>) target_semaphore(%run_scoped3A_31 : memref<!tpu.dma_semaphore, #tpu.memory_space<semaphore_mem>>)
      %dma_wait3A = arith.constant 0 : i32
      %dma_wait3A_50 = arith.constant 0 : i32
      %dma_wait3A_51 = arith.constant 0 : i32
      %dma_wait3A_52 = tpu.memref_slice %arg3[%add3A, %dma_wait3A, %dma_wait3A_50, %dma_wait3A_51] : memref<32x2x64x80xi32, #tpu.memory_space<hbm>> -> memref<1x2x64x80xi32, #tpu.memory_space<hbm>>
      %dma_wait3A_53 = tpu.memref_squeeze %dma_wait3A_52 : memref<1x2x64x80xi32, #tpu.memory_space<hbm>> -> memref<2x64x80xi32, #tpu.memory_space<hbm>>
      %dma_wait3A_54 = arith.constant 0 : i32
      %dma_wait3A_55 = arith.constant 0 : i32
      %dma_wait3A_56 = tpu.memref_slice %dma_wait3A_53[%run_scoped3A_3, %dma_wait3A_54, %dma_wait3A_55] : memref<2x64x80xi32, #tpu.memory_space<hbm>> -> memref<1x64x80xi32, #tpu.memory_space<hbm>>
      %dma_wait3A_57 = tpu.memref_squeeze %dma_wait3A_56 : memref<1x64x80xi32, #tpu.memory_space<hbm>> -> memref<64x80xi32, #tpu.memory_space<hbm>>
      %dma_wait3A_58 = arith.constant 0 : i32
      %dma_wait3A_59 = arith.constant 0 : i32
      %dma_wait3A_60 = arith.constant 0 : i32
      %dma_wait3A_61 = tpu.memref_slice %arg3[%add3A, %dma_wait3A_58, %dma_wait3A_59, %dma_wait3A_60] : memref<32x2x64x80xi32, #tpu.memory_space<hbm>> -> memref<1x2x64x80xi32, #tpu.memory_space<hbm>>
      %dma_wait3A_62 = tpu.memref_squeeze %dma_wait3A_61 : memref<1x2x64x80xi32, #tpu.memory_space<hbm>> -> memref<2x64x80xi32, #tpu.memory_space<hbm>>
      %dma_wait3A_63 = arith.constant 0 : i32
      %dma_wait3A_64 = arith.constant 0 : i32
      %dma_wait3A_65 = tpu.memref_slice %dma_wait3A_62[%run_scoped3A_3, %dma_wait3A_63, %dma_wait3A_64] : memref<2x64x80xi32, #tpu.memory_space<hbm>> -> memref<1x64x80xi32, #tpu.memory_space<hbm>>
      %dma_wait3A_66 = tpu.memref_squeeze %dma_wait3A_65 : memref<1x64x80xi32, #tpu.memory_space<hbm>> -> memref<64x80xi32, #tpu.memory_space<hbm>>
      tpu.wait_dma2 semaphore(%run_scoped3A_31 : memref<!tpu.dma_semaphore, #tpu.memory_space<semaphore_mem>>) src(%dma_wait3A_66 : memref<64x80xi32, #tpu.memory_space<hbm>>) dst(%arg7 : memref<64x80xi32, #tpu.memory_space<vmem>>)
      tpu.yield
    }) : () -> ()
    %dma_start3A = arith.constant 0 : i32
    %dma_start3A_4 = arith.constant 0 : i32
    %dma_start3A_5 = tpu.memref_slice %arg6[%dma_start3A, %dma_start3A_4] : memref<64x80xi32, #tpu.memory_space<vmem>> -> memref<1x80xi32, #tpu.memory_space<vmem>>
    %dma_start3A_6 = tpu.memref_squeeze %dma_start3A_5 : memref<1x80xi32, #tpu.memory_space<vmem>> -> memref<80xi32, #tpu.memory_space<vmem>>
    %dma_start3A_7 = arith.constant 0 : i32
    %dma_start3A_8 = arith.constant 0 : i32
    %dma_start3A_9 = tpu.memref_slice %arg4[%dma_start3A_7, %dma_start3A_8] : memref<10240x128xf32, #tpu.memory_space<hbm>> -> memref<10240x128xf32, #tpu.memory_space<hbm>>
    tpu.enqueue_indirect_dma source(%dma_start3A_9 : memref<10240x128xf32, #tpu.memory_space<hbm>>) target(%arg8 : memref<80x128xf32, #tpu.memory_space<vmem>>) offsets(%dma_start3A_6 : memref<80xi32, #tpu.memory_space<vmem>>) semaphore(%arg11 : memref<!tpu.dma_semaphore, #tpu.memory_space<semaphore_mem>>)
    %scan3A = arith.constant 0 : i32
    %scan3A_10 = arith.constant 0 : i32
    %scan3A_11 = arith.constant 32 : i32
    %scan3A_12 = arith.addi %scan3A_10, %scan3A_11 : i32
    %scan3A_13 = arith.constant 1 : i32
    scf.for %scan3A_31 = %scan3A_10 to %scan3A_12 step %scan3A_13  : i32 {
      %mul3A_32 = arith.constant 2 : i32
      %mul3A_33 = arith.muli %mul3A_32, %scan3A_31 : i32
      %add3A_34 = arith.constant 1 : i32
      %add3A_35 = arith.addi %mul3A_33, %add3A_34 : i32
      %dma_start3A_36 = arith.constant 0 : i32
      %dma_start3A_37 = tpu.memref_slice %arg6[%add3A_35, %dma_start3A_36] : memref<64x80xi32, #tpu.memory_space<vmem>> -> memref<1x80xi32, #tpu.memory_space<vmem>>
      %dma_start3A_38 = tpu.memref_squeeze %dma_start3A_37 : memref<1x80xi32, #tpu.memory_space<vmem>> -> memref<80xi32, #tpu.memory_space<vmem>>
      %dma_start3A_39 = arith.constant 0 : i32
      %dma_start3A_40 = arith.constant 0 : i32
      %dma_start3A_41 = tpu.memref_slice %arg4[%dma_start3A_39, %dma_start3A_40] : memref<10240x128xf32, #tpu.memory_space<hbm>> -> memref<10240x128xf32, #tpu.memory_space<hbm>>
      tpu.enqueue_indirect_dma source(%dma_start3A_41 : memref<10240x128xf32, #tpu.memory_space<hbm>>) target(%arg9 : memref<80x128xf32, #tpu.memory_space<vmem>>) offsets(%dma_start3A_38 : memref<80xi32, #tpu.memory_space<vmem>>) semaphore(%arg12 : memref<!tpu.dma_semaphore, #tpu.memory_space<semaphore_mem>>)
      %dma_wait3A = arith.constant 0 : i32
      %dma_wait3A_42 = tpu.memref_slice %arg6[%mul3A_33, %dma_wait3A] : memref<64x80xi32, #tpu.memory_space<vmem>> -> memref<1x80xi32, #tpu.memory_space<vmem>>
      %dma_wait3A_43 = tpu.memref_squeeze %dma_wait3A_42 : memref<1x80xi32, #tpu.memory_space<vmem>> -> memref<80xi32, #tpu.memory_space<vmem>>
      %dma_wait3A_44 = arith.constant 0 : i32
      %dma_wait3A_45 = arith.constant 0 : i32
      %dma_wait3A_46 = tpu.memref_slice %arg4[%dma_wait3A_44, %dma_wait3A_45] : memref<10240x128xf32, #tpu.memory_space<hbm>> -> memref<10240x128xf32, #tpu.memory_space<hbm>>
      tpu.wait_indirect_dma semaphore(%arg11 : memref<!tpu.dma_semaphore, #tpu.memory_space<semaphore_mem>>) src(%dma_wait3A_46 : memref<10240x128xf32, #tpu.memory_space<hbm>>) dst(%arg8 : memref<80x128xf32, #tpu.memory_space<vmem>>)
      "tpu.region"() ({
        %run_scoped3A_61 = tpu.sem_alloc : memref<!tpu.dma_semaphore, #tpu.memory_space<semaphore_mem>>
        %dma_start3A_62 = arith.constant 0 : i32
        %dma_start3A_63 = tpu.memref_slice %arg7[%mul3A_33, %dma_start3A_62] : memref<64x80xi32, #tpu.memory_space<vmem>> -> memref<1x80xi32, #tpu.memory_space<vmem>>
        %dma_start3A_64 = tpu.memref_squeeze %dma_start3A_63 : memref<1x80xi32, #tpu.memory_space<vmem>> -> memref<80xi32, #tpu.memory_space<vmem>>
        %dma_start3A_65 = arith.constant 0 : i32
        %dma_start3A_66 = arith.constant 0 : i32
        %dma_start3A_67 = tpu.memref_slice %arg10[%dma_start3A_65, %dma_start3A_66] : memref<10240x128xf32, #tpu.memory_space<vmem_shared>> -> memref<10240x128xf32, #tpu.memory_space<vmem_shared>>
        tpu.enqueue_indirect_dma source(%arg8 : memref<80x128xf32, #tpu.memory_space<vmem>>) target(%dma_start3A_67 : memref<10240x128xf32, #tpu.memory_space<vmem_shared>>) offsets(%dma_start3A_64 : memref<80xi32, #tpu.memory_space<vmem>>) semaphore(%run_scoped3A_61 : memref<!tpu.dma_semaphore, #tpu.memory_space<semaphore_mem>>) {add = true}
        %dma_wait3A_68 = arith.constant 0 : i32
        %dma_wait3A_69 = tpu.memref_slice %arg7[%mul3A_33, %dma_wait3A_68] : memref<64x80xi32, #tpu.memory_space<vmem>> -> memref<1x80xi32, #tpu.memory_space<vmem>>
        %dma_wait3A_70 = tpu.memref_squeeze %dma_wait3A_69 : memref<1x80xi32, #tpu.memory_space<vmem>> -> memref<80xi32, #tpu.memory_space<vmem>>
        %dma_wait3A_71 = arith.constant 0 : i32
        %dma_wait3A_72 = arith.constant 0 : i32
        %dma_wait3A_73 = tpu.memref_slice %arg10[%dma_wait3A_71, %dma_wait3A_72] : memref<10240x128xf32, #tpu.memory_space<vmem_shared>> -> memref<10240x128xf32, #tpu.memory_space<vmem_shared>>
        tpu.wait_indirect_dma semaphore(%run_scoped3A_61 : memref<!tpu.dma_semaphore, #tpu.memory_space<semaphore_mem>>) src(%arg8 : memref<80x128xf32, #tpu.memory_space<vmem>>) dst(%dma_wait3A_73 : memref<10240x128xf32, #tpu.memory_space<vmem_shared>>)
        tpu.yield
      }) : () -> ()
      %add3A_47 = arith.constant 2 : i32
      %add3A_48 = arith.addi %mul3A_33, %add3A_47 : i32
      %lt3A = arith.constant 64 : i32
      %lt3A_49 = arith.cmpi slt, %add3A_48, %lt3A : i32
      %convert_element_type3A = arith.extui %lt3A_49 : i1 to i32
      %cond3A = arith.constant 0 : i32
      %cond3A_50 = arith.cmpi ne, %convert_element_type3A, %cond3A : i32
      scf.if %cond3A_50 {
        %add3A_61 = arith.constant 2 : i32
        %add3A_62 = arith.addi %mul3A_33, %add3A_61 : i32
        %dma_start3A_63 = arith.constant 0 : i32
        %dma_start3A_64 = tpu.memref_slice %arg6[%add3A_62, %dma_start3A_63] : memref<64x80xi32, #tpu.memory_space<vmem>> -> memref<1x80xi32, #tpu.memory_space<vmem>>
        %dma_start3A_65 = tpu.memref_squeeze %dma_start3A_64 : memref<1x80xi32, #tpu.memory_space<vmem>> -> memref<80xi32, #tpu.memory_space<vmem>>
        %dma_start3A_66 = arith.constant 0 : i32
        %dma_start3A_67 = arith.constant 0 : i32
        %dma_start3A_68 = tpu.memref_slice %arg4[%dma_start3A_66, %dma_start3A_67] : memref<10240x128xf32, #tpu.memory_space<hbm>> -> memref<10240x128xf32, #tpu.memory_space<hbm>>
        tpu.enqueue_indirect_dma source(%dma_start3A_68 : memref<10240x128xf32, #tpu.memory_space<hbm>>) target(%arg8 : memref<80x128xf32, #tpu.memory_space<vmem>>) offsets(%dma_start3A_65 : memref<80xi32, #tpu.memory_space<vmem>>) semaphore(%arg11 : memref<!tpu.dma_semaphore, #tpu.memory_space<semaphore_mem>>)
      } else {
      }
      %add3A_51 = arith.constant 1 : i32
      %add3A_52 = arith.addi %mul3A_33, %add3A_51 : i32
      %dma_wait3A_53 = arith.constant 0 : i32
      %dma_wait3A_54 = tpu.memref_slice %arg6[%add3A_52, %dma_wait3A_53] : memref<64x80xi32, #tpu.memory_space<vmem>> -> memref<1x80xi32, #tpu.memory_space<vmem>>
      %dma_wait3A_55 = tpu.memref_squeeze %dma_wait3A_54 : memref<1x80xi32, #tpu.memory_space<vmem>> -> memref<80xi32, #tpu.memory_space<vmem>>
      %dma_wait3A_56 = arith.constant 0 : i32
      %dma_wait3A_57 = arith.constant 0 : i32
      %dma_wait3A_58 = tpu.memref_slice %arg4[%dma_wait3A_56, %dma_wait3A_57] : memref<10240x128xf32, #tpu.memory_space<hbm>> -> memref<10240x128xf32, #tpu.memory_space<hbm>>
      tpu.wait_indirect_dma semaphore(%arg12 : memref<!tpu.dma_semaphore, #tpu.memory_space<semaphore_mem>>) src(%dma_wait3A_58 : memref<10240x128xf32, #tpu.memory_space<hbm>>) dst(%arg9 : memref<80x128xf32, #tpu.memory_space<vmem>>)
      %add3A_59 = arith.constant 1 : i32
      %add3A_60 = arith.addi %mul3A_33, %add3A_59 : i32
      "tpu.region"() ({
        %run_scoped3A_61 = tpu.sem_alloc : memref<!tpu.dma_semaphore, #tpu.memory_space<semaphore_mem>>
        %dma_start3A_62 = arith.constant 0 : i32
        %dma_start3A_63 = tpu.memref_slice %arg7[%add3A_60, %dma_start3A_62] : memref<64x80xi32, #tpu.memory_space<vmem>> -> memref<1x80xi32, #tpu.memory_space<vmem>>
        %dma_start3A_64 = tpu.memref_squeeze %dma_start3A_63 : memref<1x80xi32, #tpu.memory_space<vmem>> -> memref<80xi32, #tpu.memory_space<vmem>>
        %dma_start3A_65 = arith.constant 0 : i32
        %dma_start3A_66 = arith.constant 0 : i32
        %dma_start3A_67 = tpu.memref_slice %arg10[%dma_start3A_65, %dma_start3A_66] : memref<10240x128xf32, #tpu.memory_space<vmem_shared>> -> memref<10240x128xf32, #tpu.memory_space<vmem_shared>>
        tpu.enqueue_indirect_dma source(%arg9 : memref<80x128xf32, #tpu.memory_space<vmem>>) target(%dma_start3A_67 : memref<10240x128xf32, #tpu.memory_space<vmem_shared>>) offsets(%dma_start3A_64 : memref<80xi32, #tpu.memory_space<vmem>>) semaphore(%run_scoped3A_61 : memref<!tpu.dma_semaphore, #tpu.memory_space<semaphore_mem>>) {add = true}
        %dma_wait3A_68 = arith.constant 0 : i32
        %dma_wait3A_69 = tpu.memref_slice %arg7[%add3A_60, %dma_wait3A_68] : memref<64x80xi32, #tpu.memory_space<vmem>> -> memref<1x80xi32, #tpu.memory_space<vmem>>
        %dma_wait3A_70 = tpu.memref_squeeze %dma_wait3A_69 : memref<1x80xi32, #tpu.memory_space<vmem>> -> memref<80xi32, #tpu.memory_space<vmem>>
        %dma_wait3A_71 = arith.constant 0 : i32
        %dma_wait3A_72 = arith.constant 0 : i32
        %dma_wait3A_73 = tpu.memref_slice %arg10[%dma_wait3A_71, %dma_wait3A_72] : memref<10240x128xf32, #tpu.memory_space<vmem_shared>> -> memref<10240x128xf32, #tpu.memory_space<vmem_shared>>
        tpu.wait_indirect_dma semaphore(%run_scoped3A_61 : memref<!tpu.dma_semaphore, #tpu.memory_space<semaphore_mem>>) src(%arg9 : memref<80x128xf32, #tpu.memory_space<vmem>>) dst(%dma_wait3A_73 : memref<10240x128xf32, #tpu.memory_space<vmem_shared>>)
        tpu.yield
      }) : () -> ()
    }
    %scan3A_14 = arith.constant 32 : i32
    %run_scoped3A_15 = arith.constant 1 : i32
    "tpu.region"() ({
      %run_scoped3A_31 = tpu.sem_alloc : memref<!tpu.dma_semaphore, #tpu.memory_space<semaphore_mem>>
      %dma_start3A_32 = arith.constant 0 : i32
      %dma_start3A_33 = arith.constant 0 : i32
      %dma_start3A_34 = arith.constant 0 : i32
      %dma_start3A_35 = tpu.memref_slice %arg2[%add3A, %dma_start3A_32, %dma_start3A_33, %dma_start3A_34] : memref<32x2x64x80xi32, #tpu.memory_space<hbm>> -> memref<1x2x64x80xi32, #tpu.memory_space<hbm>>
      %dma_start3A_36 = tpu.memref_squeeze %dma_start3A_35 : memref<1x2x64x80xi32, #tpu.memory_space<hbm>> -> memref<2x64x80xi32, #tpu.memory_space<hbm>>
      %dma_start3A_37 = arith.constant 0 : i32
      %dma_start3A_38 = arith.constant 0 : i32
      %dma_start3A_39 = tpu.memref_slice %dma_start3A_36[%run_scoped3A_15, %dma_start3A_37, %dma_start3A_38] : memref<2x64x80xi32, #tpu.memory_space<hbm>> -> memref<1x64x80xi32, #tpu.memory_space<hbm>>
      %dma_start3A_40 = tpu.memref_squeeze %dma_start3A_39 : memref<1x64x80xi32, #tpu.memory_space<hbm>> -> memref<64x80xi32, #tpu.memory_space<hbm>>
      %dma_start3A_41 = arith.constant 0 : i32
      %dma_start3A_42 = arith.constant 0 : i32
      %dma_start3A_43 = arith.constant 0 : i32
      %dma_start3A_44 = tpu.memref_slice %arg2[%add3A, %dma_start3A_41, %dma_start3A_42, %dma_start3A_43] : memref<32x2x64x80xi32, #tpu.memory_space<hbm>> -> memref<1x2x64x80xi32, #tpu.memory_space<hbm>>
      %dma_start3A_45 = tpu.memref_squeeze %dma_start3A_44 : memref<1x2x64x80xi32, #tpu.memory_space<hbm>> -> memref<2x64x80xi32, #tpu.memory_space<hbm>>
      %dma_start3A_46 = arith.constant 0 : i32
      %dma_start3A_47 = arith.constant 0 : i32
      %dma_start3A_48 = tpu.memref_slice %dma_start3A_45[%run_scoped3A_15, %dma_start3A_46, %dma_start3A_47] : memref<2x64x80xi32, #tpu.memory_space<hbm>> -> memref<1x64x80xi32, #tpu.memory_space<hbm>>
      %dma_start3A_49 = tpu.memref_squeeze %dma_start3A_48 : memref<1x64x80xi32, #tpu.memory_space<hbm>> -> memref<64x80xi32, #tpu.memory_space<hbm>>
      tpu.enqueue_dma source(%dma_start3A_49 : memref<64x80xi32, #tpu.memory_space<hbm>>) target(%arg6 : memref<64x80xi32, #tpu.memory_space<vmem>>) target_semaphore(%run_scoped3A_31 : memref<!tpu.dma_semaphore, #tpu.memory_space<semaphore_mem>>)
      %dma_wait3A = arith.constant 0 : i32
      %dma_wait3A_50 = arith.constant 0 : i32
      %dma_wait3A_51 = arith.constant 0 : i32
      %dma_wait3A_52 = tpu.memref_slice %arg2[%add3A, %dma_wait3A, %dma_wait3A_50, %dma_wait3A_51] : memref<32x2x64x80xi32, #tpu.memory_space<hbm>> -> memref<1x2x64x80xi32, #tpu.memory_space<hbm>>
      %dma_wait3A_53 = tpu.memref_squeeze %dma_wait3A_52 : memref<1x2x64x80xi32, #tpu.memory_space<hbm>> -> memref<2x64x80xi32, #tpu.memory_space<hbm>>
      %dma_wait3A_54 = arith.constant 0 : i32
      %dma_wait3A_55 = arith.constant 0 : i32
      %dma_wait3A_56 = tpu.memref_slice %dma_wait3A_53[%run_scoped3A_15, %dma_wait3A_54, %dma_wait3A_55] : memref<2x64x80xi32, #tpu.memory_space<hbm>> -> memref<1x64x80xi32, #tpu.memory_space<hbm>>
      %dma_wait3A_57 = tpu.memref_squeeze %dma_wait3A_56 : memref<1x64x80xi32, #tpu.memory_space<hbm>> -> memref<64x80xi32, #tpu.memory_space<hbm>>
      %dma_wait3A_58 = arith.constant 0 : i32
      %dma_wait3A_59 = arith.constant 0 : i32
      %dma_wait3A_60 = arith.constant 0 : i32
      %dma_wait3A_61 = tpu.memref_slice %arg2[%add3A, %dma_wait3A_58, %dma_wait3A_59, %dma_wait3A_60] : memref<32x2x64x80xi32, #tpu.memory_space<hbm>> -> memref<1x2x64x80xi32, #tpu.memory_space<hbm>>
      %dma_wait3A_62 = tpu.memref_squeeze %dma_wait3A_61 : memref<1x2x64x80xi32, #tpu.memory_space<hbm>> -> memref<2x64x80xi32, #tpu.memory_space<hbm>>
      %dma_wait3A_63 = arith.constant 0 : i32
      %dma_wait3A_64 = arith.constant 0 : i32
      %dma_wait3A_65 = tpu.memref_slice %dma_wait3A_62[%run_scoped3A_15, %dma_wait3A_63, %dma_wait3A_64] : memref<2x64x80xi32, #tpu.memory_space<hbm>> -> memref<1x64x80xi32, #tpu.memory_space<hbm>>
      %dma_wait3A_66 = tpu.memref_squeeze %dma_wait3A_65 : memref<1x64x80xi32, #tpu.memory_space<hbm>> -> memref<64x80xi32, #tpu.memory_space<hbm>>
      tpu.wait_dma2 semaphore(%run_scoped3A_31 : memref<!tpu.dma_semaphore, #tpu.memory_space<semaphore_mem>>) src(%dma_wait3A_66 : memref<64x80xi32, #tpu.memory_space<hbm>>) dst(%arg6 : memref<64x80xi32, #tpu.memory_space<vmem>>)
      tpu.yield
    }) : () -> ()
    %run_scoped3A_16 = arith.constant 1 : i32
    "tpu.region"() ({
      %run_scoped3A_31 = tpu.sem_alloc : memref<!tpu.dma_semaphore, #tpu.memory_space<semaphore_mem>>
      %dma_start3A_32 = arith.constant 0 : i32
      %dma_start3A_33 = arith.constant 0 : i32
      %dma_start3A_34 = arith.constant 0 : i32
      %dma_start3A_35 = tpu.memref_slice %arg3[%add3A, %dma_start3A_32, %dma_start3A_33, %dma_start3A_34] : memref<32x2x64x80xi32, #tpu.memory_space<hbm>> -> memref<1x2x64x80xi32, #tpu.memory_space<hbm>>
      %dma_start3A_36 = tpu.memref_squeeze %dma_start3A_35 : memref<1x2x64x80xi32, #tpu.memory_space<hbm>> -> memref<2x64x80xi32, #tpu.memory_space<hbm>>
      %dma_start3A_37 = arith.constant 0 : i32
      %dma_start3A_38 = arith.constant 0 : i32
      %dma_start3A_39 = tpu.memref_slice %dma_start3A_36[%run_scoped3A_16, %dma_start3A_37, %dma_start3A_38] : memref<2x64x80xi32, #tpu.memory_space<hbm>> -> memref<1x64x80xi32, #tpu.memory_space<hbm>>
      %dma_start3A_40 = tpu.memref_squeeze %dma_start3A_39 : memref<1x64x80xi32, #tpu.memory_space<hbm>> -> memref<64x80xi32, #tpu.memory_space<hbm>>
      %dma_start3A_41 = arith.constant 0 : i32
      %dma_start3A_42 = arith.constant 0 : i32
      %dma_start3A_43 = arith.constant 0 : i32
      %dma_start3A_44 = tpu.memref_slice %arg3[%add3A, %dma_start3A_41, %dma_start3A_42, %dma_start3A_43] : memref<32x2x64x80xi32, #tpu.memory_space<hbm>> -> memref<1x2x64x80xi32, #tpu.memory_space<hbm>>
      %dma_start3A_45 = tpu.memref_squeeze %dma_start3A_44 : memref<1x2x64x80xi32, #tpu.memory_space<hbm>> -> memref<2x64x80xi32, #tpu.memory_space<hbm>>
      %dma_start3A_46 = arith.constant 0 : i32
      %dma_start3A_47 = arith.constant 0 : i32
      %dma_start3A_48 = tpu.memref_slice %dma_start3A_45[%run_scoped3A_16, %dma_start3A_46, %dma_start3A_47] : memref<2x64x80xi32, #tpu.memory_space<hbm>> -> memref<1x64x80xi32, #tpu.memory_space<hbm>>
      %dma_start3A_49 = tpu.memref_squeeze %dma_start3A_48 : memref<1x64x80xi32, #tpu.memory_space<hbm>> -> memref<64x80xi32, #tpu.memory_space<hbm>>
      tpu.enqueue_dma source(%dma_start3A_49 : memref<64x80xi32, #tpu.memory_space<hbm>>) target(%arg7 : memref<64x80xi32, #tpu.memory_space<vmem>>) target_semaphore(%run_scoped3A_31 : memref<!tpu.dma_semaphore, #tpu.memory_space<semaphore_mem>>)
      %dma_wait3A = arith.constant 0 : i32
      %dma_wait3A_50 = arith.constant 0 : i32
      %dma_wait3A_51 = arith.constant 0 : i32
      %dma_wait3A_52 = tpu.memref_slice %arg3[%add3A, %dma_wait3A, %dma_wait3A_50, %dma_wait3A_51] : memref<32x2x64x80xi32, #tpu.memory_space<hbm>> -> memref<1x2x64x80xi32, #tpu.memory_space<hbm>>
      %dma_wait3A_53 = tpu.memref_squeeze %dma_wait3A_52 : memref<1x2x64x80xi32, #tpu.memory_space<hbm>> -> memref<2x64x80xi32, #tpu.memory_space<hbm>>
      %dma_wait3A_54 = arith.constant 0 : i32
      %dma_wait3A_55 = arith.constant 0 : i32
      %dma_wait3A_56 = tpu.memref_slice %dma_wait3A_53[%run_scoped3A_16, %dma_wait3A_54, %dma_wait3A_55] : memref<2x64x80xi32, #tpu.memory_space<hbm>> -> memref<1x64x80xi32, #tpu.memory_space<hbm>>
      %dma_wait3A_57 = tpu.memref_squeeze %dma_wait3A_56 : memref<1x64x80xi32, #tpu.memory_space<hbm>> -> memref<64x80xi32, #tpu.memory_space<hbm>>
      %dma_wait3A_58 = arith.constant 0 : i32
      %dma_wait3A_59 = arith.constant 0 : i32
      %dma_wait3A_60 = arith.constant 0 : i32
      %dma_wait3A_61 = tpu.memref_slice %arg3[%add3A, %dma_wait3A_58, %dma_wait3A_59, %dma_wait3A_60] : memref<32x2x64x80xi32, #tpu.memory_space<hbm>> -> memref<1x2x64x80xi32, #tpu.memory_space<hbm>>
      %dma_wait3A_62 = tpu.memref_squeeze %dma_wait3A_61 : memref<1x2x64x80xi32, #tpu.memory_space<hbm>> -> memref<2x64x80xi32, #tpu.memory_space<hbm>>
      %dma_wait3A_63 = arith.constant 0 : i32
      %dma_wait3A_64 = arith.constant 0 : i32
      %dma_wait3A_65 = tpu.memref_slice %dma_wait3A_62[%run_scoped3A_16, %dma_wait3A_63, %dma_wait3A_64] : memref<2x64x80xi32, #tpu.memory_space<hbm>> -> memref<1x64x80xi32, #tpu.memory_space<hbm>>
      %dma_wait3A_66 = tpu.memref_squeeze %dma_wait3A_65 : memref<1x64x80xi32, #tpu.memory_space<hbm>> -> memref<64x80xi32, #tpu.memory_space<hbm>>
      tpu.wait_dma2 semaphore(%run_scoped3A_31 : memref<!tpu.dma_semaphore, #tpu.memory_space<semaphore_mem>>) src(%dma_wait3A_66 : memref<64x80xi32, #tpu.memory_space<hbm>>) dst(%arg7 : memref<64x80xi32, #tpu.memory_space<vmem>>)
      tpu.yield
    }) : () -> ()
    %dma_start3A_17 = arith.constant 0 : i32
    %dma_start3A_18 = arith.constant 0 : i32
    %dma_start3A_19 = tpu.memref_slice %arg6[%dma_start3A_17, %dma_start3A_18] : memref<64x80xi32, #tpu.memory_space<vmem>> -> memref<1x80xi32, #tpu.memory_space<vmem>>
    %dma_start3A_20 = tpu.memref_squeeze %dma_start3A_19 : memref<1x80xi32, #tpu.memory_space<vmem>> -> memref<80xi32, #tpu.memory_space<vmem>>
    %dma_start3A_21 = arith.constant 0 : i32
    %dma_start3A_22 = arith.constant 0 : i32
    %dma_start3A_23 = tpu.memref_slice %arg4[%dma_start3A_21, %dma_start3A_22] : memref<10240x128xf32, #tpu.memory_space<hbm>> -> memref<10240x128xf32, #tpu.memory_space<hbm>>
    tpu.enqueue_indirect_dma source(%dma_start3A_23 : memref<10240x128xf32, #tpu.memory_space<hbm>>) target(%arg8 : memref<80x128xf32, #tpu.memory_space<vmem>>) offsets(%dma_start3A_20 : memref<80xi32, #tpu.memory_space<vmem>>) semaphore(%arg11 : memref<!tpu.dma_semaphore, #tpu.memory_space<semaphore_mem>>)
    %scan3A_24 = arith.constant 0 : i32
    %scan3A_25 = arith.constant 0 : i32
    %scan3A_26 = arith.constant 32 : i32
    %scan3A_27 = arith.addi %scan3A_25, %scan3A_26 : i32
    %scan3A_28 = arith.constant 1 : i32
    scf.for %scan3A_31 = %scan3A_25 to %scan3A_27 step %scan3A_28  : i32 {
      %mul3A_32 = arith.constant 2 : i32
      %mul3A_33 = arith.muli %mul3A_32, %scan3A_31 : i32
      %add3A_34 = arith.constant 1 : i32
      %add3A_35 = arith.addi %mul3A_33, %add3A_34 : i32
      %dma_start3A_36 = arith.constant 0 : i32
      %dma_start3A_37 = tpu.memref_slice %arg6[%add3A_35, %dma_start3A_36] : memref<64x80xi32, #tpu.memory_space<vmem>> -> memref<1x80xi32, #tpu.memory_space<vmem>>
      %dma_start3A_38 = tpu.memref_squeeze %dma_start3A_37 : memref<1x80xi32, #tpu.memory_space<vmem>> -> memref<80xi32, #tpu.memory_space<vmem>>
      %dma_start3A_39 = arith.constant 0 : i32
      %dma_start3A_40 = arith.constant 0 : i32
      %dma_start3A_41 = tpu.memref_slice %arg4[%dma_start3A_39, %dma_start3A_40] : memref<10240x128xf32, #tpu.memory_space<hbm>> -> memref<10240x128xf32, #tpu.memory_space<hbm>>
      tpu.enqueue_indirect_dma source(%dma_start3A_41 : memref<10240x128xf32, #tpu.memory_space<hbm>>) target(%arg9 : memref<80x128xf32, #tpu.memory_space<vmem>>) offsets(%dma_start3A_38 : memref<80xi32, #tpu.memory_space<vmem>>) semaphore(%arg12 : memref<!tpu.dma_semaphore, #tpu.memory_space<semaphore_mem>>)
      %dma_wait3A = arith.constant 0 : i32
      %dma_wait3A_42 = tpu.memref_slice %arg6[%mul3A_33, %dma_wait3A] : memref<64x80xi32, #tpu.memory_space<vmem>> -> memref<1x80xi32, #tpu.memory_space<vmem>>
      %dma_wait3A_43 = tpu.memref_squeeze %dma_wait3A_42 : memref<1x80xi32, #tpu.memory_space<vmem>> -> memref<80xi32, #tpu.memory_space<vmem>>
      %dma_wait3A_44 = arith.constant 0 : i32
      %dma_wait3A_45 = arith.constant 0 : i32
      %dma_wait3A_46 = tpu.memref_slice %arg4[%dma_wait3A_44, %dma_wait3A_45] : memref<10240x128xf32, #tpu.memory_space<hbm>> -> memref<10240x128xf32, #tpu.memory_space<hbm>>
      tpu.wait_indirect_dma semaphore(%arg11 : memref<!tpu.dma_semaphore, #tpu.memory_space<semaphore_mem>>) src(%dma_wait3A_46 : memref<10240x128xf32, #tpu.memory_space<hbm>>) dst(%arg8 : memref<80x128xf32, #tpu.memory_space<vmem>>)
      "tpu.region"() ({
        %run_scoped3A_61 = tpu.sem_alloc : memref<!tpu.dma_semaphore, #tpu.memory_space<semaphore_mem>>
        %dma_start3A_62 = arith.constant 0 : i32
        %dma_start3A_63 = tpu.memref_slice %arg7[%mul3A_33, %dma_start3A_62] : memref<64x80xi32, #tpu.memory_space<vmem>> -> memref<1x80xi32, #tpu.memory_space<vmem>>
        %dma_start3A_64 = tpu.memref_squeeze %dma_start3A_63 : memref<1x80xi32, #tpu.memory_space<vmem>> -> memref<80xi32, #tpu.memory_space<vmem>>
        %dma_start3A_65 = arith.constant 0 : i32
        %dma_start3A_66 = arith.constant 0 : i32
        %dma_start3A_67 = tpu.memref_slice %arg10[%dma_start3A_65, %dma_start3A_66] : memref<10240x128xf32, #tpu.memory_space<vmem_shared>> -> memref<10240x128xf32, #tpu.memory_space<vmem_shared>>
        tpu.enqueue_indirect_dma source(%arg8 : memref<80x128xf32, #tpu.memory_space<vmem>>) target(%dma_start3A_67 : memref<10240x128xf32, #tpu.memory_space<vmem_shared>>) offsets(%dma_start3A_64 : memref<80xi32, #tpu.memory_space<vmem>>) semaphore(%run_scoped3A_61 : memref<!tpu.dma_semaphore, #tpu.memory_space<semaphore_mem>>) {add = true}
        %dma_wait3A_68 = arith.constant 0 : i32
        %dma_wait3A_69 = tpu.memref_slice %arg7[%mul3A_33, %dma_wait3A_68] : memref<64x80xi32, #tpu.memory_space<vmem>> -> memref<1x80xi32, #tpu.memory_space<vmem>>
        %dma_wait3A_70 = tpu.memref_squeeze %dma_wait3A_69 : memref<1x80xi32, #tpu.memory_space<vmem>> -> memref<80xi32, #tpu.memory_space<vmem>>
        %dma_wait3A_71 = arith.constant 0 : i32
        %dma_wait3A_72 = arith.constant 0 : i32
        %dma_wait3A_73 = tpu.memref_slice %arg10[%dma_wait3A_71, %dma_wait3A_72] : memref<10240x128xf32, #tpu.memory_space<vmem_shared>> -> memref<10240x128xf32, #tpu.memory_space<vmem_shared>>
        tpu.wait_indirect_dma semaphore(%run_scoped3A_61 : memref<!tpu.dma_semaphore, #tpu.memory_space<semaphore_mem>>) src(%arg8 : memref<80x128xf32, #tpu.memory_space<vmem>>) dst(%dma_wait3A_73 : memref<10240x128xf32, #tpu.memory_space<vmem_shared>>)
        tpu.yield
      }) : () -> ()
      %add3A_47 = arith.constant 2 : i32
      %add3A_48 = arith.addi %mul3A_33, %add3A_47 : i32
      %lt3A = arith.constant 64 : i32
      %lt3A_49 = arith.cmpi slt, %add3A_48, %lt3A : i32
      %convert_element_type3A = arith.extui %lt3A_49 : i1 to i32
      %cond3A = arith.constant 0 : i32
      %cond3A_50 = arith.cmpi ne, %convert_element_type3A, %cond3A : i32
      scf.if %cond3A_50 {
        %add3A_61 = arith.constant 2 : i32
        %add3A_62 = arith.addi %mul3A_33, %add3A_61 : i32
        %dma_start3A_63 = arith.constant 0 : i32
        %dma_start3A_64 = tpu.memref_slice %arg6[%add3A_62, %dma_start3A_63] : memref<64x80xi32, #tpu.memory_space<vmem>> -> memref<1x80xi32, #tpu.memory_space<vmem>>
        %dma_start3A_65 = tpu.memref_squeeze %dma_start3A_64 : memref<1x80xi32, #tpu.memory_space<vmem>> -> memref<80xi32, #tpu.memory_space<vmem>>
        %dma_start3A_66 = arith.constant 0 : i32
        %dma_start3A_67 = arith.constant 0 : i32
        %dma_start3A_68 = tpu.memref_slice %arg4[%dma_start3A_66, %dma_start3A_67] : memref<10240x128xf32, #tpu.memory_space<hbm>> -> memref<10240x128xf32, #tpu.memory_space<hbm>>
        tpu.enqueue_indirect_dma source(%dma_start3A_68 : memref<10240x128xf32, #tpu.memory_space<hbm>>) target(%arg8 : memref<80x128xf32, #tpu.memory_space<vmem>>) offsets(%dma_start3A_65 : memref<80xi32, #tpu.memory_space<vmem>>) semaphore(%arg11 : memref<!tpu.dma_semaphore, #tpu.memory_space<semaphore_mem>>)
      } else {
      }
      %add3A_51 = arith.constant 1 : i32
      %add3A_52 = arith.addi %mul3A_33, %add3A_51 : i32
      %dma_wait3A_53 = arith.constant 0 : i32
      %dma_wait3A_54 = tpu.memref_slice %arg6[%add3A_52, %dma_wait3A_53] : memref<64x80xi32, #tpu.memory_space<vmem>> -> memref<1x80xi32, #tpu.memory_space<vmem>>
      %dma_wait3A_55 = tpu.memref_squeeze %dma_wait3A_54 : memref<1x80xi32, #tpu.memory_space<vmem>> -> memref<80xi32, #tpu.memory_space<vmem>>
      %dma_wait3A_56 = arith.constant 0 : i32
      %dma_wait3A_57 = arith.constant 0 : i32
      %dma_wait3A_58 = tpu.memref_slice %arg4[%dma_wait3A_56, %dma_wait3A_57] : memref<10240x128xf32, #tpu.memory_space<hbm>> -> memref<10240x128xf32, #tpu.memory_space<hbm>>
      tpu.wait_indirect_dma semaphore(%arg12 : memref<!tpu.dma_semaphore, #tpu.memory_space<semaphore_mem>>) src(%dma_wait3A_58 : memref<10240x128xf32, #tpu.memory_space<hbm>>) dst(%arg9 : memref<80x128xf32, #tpu.memory_space<vmem>>)
      %add3A_59 = arith.constant 1 : i32
      %add3A_60 = arith.addi %mul3A_33, %add3A_59 : i32
      "tpu.region"() ({
        %run_scoped3A_61 = tpu.sem_alloc : memref<!tpu.dma_semaphore, #tpu.memory_space<semaphore_mem>>
        %dma_start3A_62 = arith.constant 0 : i32
        %dma_start3A_63 = tpu.memref_slice %arg7[%add3A_60, %dma_start3A_62] : memref<64x80xi32, #tpu.memory_space<vmem>> -> memref<1x80xi32, #tpu.memory_space<vmem>>
        %dma_start3A_64 = tpu.memref_squeeze %dma_start3A_63 : memref<1x80xi32, #tpu.memory_space<vmem>> -> memref<80xi32, #tpu.memory_space<vmem>>
        %dma_start3A_65 = arith.constant 0 : i32
        %dma_start3A_66 = arith.constant 0 : i32
        %dma_start3A_67 = tpu.memref_slice %arg10[%dma_start3A_65, %dma_start3A_66] : memref<10240x128xf32, #tpu.memory_space<vmem_shared>> -> memref<10240x128xf32, #tpu.memory_space<vmem_shared>>
        tpu.enqueue_indirect_dma source(%arg9 : memref<80x128xf32, #tpu.memory_space<vmem>>) target(%dma_start3A_67 : memref<10240x128xf32, #tpu.memory_space<vmem_shared>>) offsets(%dma_start3A_64 : memref<80xi32, #tpu.memory_space<vmem>>) semaphore(%run_scoped3A_61 : memref<!tpu.dma_semaphore, #tpu.memory_space<semaphore_mem>>) {add = true}
        %dma_wait3A_68 = arith.constant 0 : i32
        %dma_wait3A_69 = tpu.memref_slice %arg7[%add3A_60, %dma_wait3A_68] : memref<64x80xi32, #tpu.memory_space<vmem>> -> memref<1x80xi32, #tpu.memory_space<vmem>>
        %dma_wait3A_70 = tpu.memref_squeeze %dma_wait3A_69 : memref<1x80xi32, #tpu.memory_space<vmem>> -> memref<80xi32, #tpu.memory_space<vmem>>
        %dma_wait3A_71 = arith.constant 0 : i32
        %dma_wait3A_72 = arith.constant 0 : i32
        %dma_wait3A_73 = tpu.memref_slice %arg10[%dma_wait3A_71, %dma_wait3A_72] : memref<10240x128xf32, #tpu.memory_space<vmem_shared>> -> memref<10240x128xf32, #tpu.memory_space<vmem_shared>>
        tpu.wait_indirect_dma semaphore(%run_scoped3A_61 : memref<!tpu.dma_semaphore, #tpu.memory_space<semaphore_mem>>) src(%arg9 : memref<80x128xf32, #tpu.memory_space<vmem>>) dst(%dma_wait3A_73 : memref<10240x128xf32, #tpu.memory_space<vmem_shared>>)
        tpu.yield
      }) : () -> ()
    }
    %scan3A_29 = arith.constant 32 : i32
    %barrier3A_30 = arith.constant 0 : index
    tpu.barrier barrier_id(%barrier3A_30)
    "tpu.region"() ({
      %run_scoped3A_31 = tpu.sem_alloc : memref<!tpu.dma_semaphore, #tpu.memory_space<semaphore_mem>>
      %dma_start3A_32 = arith.constant 0 : i32
      %dma_start3A_33 = arith.constant 0 : i32
      %dma_start3A_34 = tpu.memref_slice %arg5[%arg0, %dma_start3A_32, %dma_start3A_33] : memref<2x10240x128xf32, #tpu.memory_space<hbm>> -> memref<1x10240x128xf32, #tpu.memory_space<hbm>>
      %dma_start3A_35 = tpu.memref_squeeze %dma_start3A_34 : memref<1x10240x128xf32, #tpu.memory_space<hbm>> -> memref<10240x128xf32, #tpu.memory_space<hbm>>
      %dma_start3A_36 = arith.constant 0 : i32
      %dma_start3A_37 = tpu.memref_slice %dma_start3A_35[%mul3A_2, %dma_start3A_36] : memref<10240x128xf32, #tpu.memory_space<hbm>> -> memref<640x128xf32, #tpu.memory_space<hbm>>
      %dma_start3A_38 = arith.constant 0 : i32
      %dma_start3A_39 = tpu.memref_slice %arg10[%mul3A_2, %dma_start3A_38] : memref<10240x128xf32, #tpu.memory_space<vmem_shared>> -> memref<640x128xf32, #tpu.memory_space<vmem_shared>>
      tpu.enqueue_dma source(%dma_start3A_39 : memref<640x128xf32, #tpu.memory_space<vmem_shared>>) target(%dma_start3A_37 : memref<640x128xf32, #tpu.memory_space<hbm>>) target_semaphore(%run_scoped3A_31 : memref<!tpu.dma_semaphore, #tpu.memory_space<semaphore_mem>>)
      %dma_wait3A = arith.constant 0 : i32
      %dma_wait3A_40 = arith.constant 0 : i32
      %dma_wait3A_41 = tpu.memref_slice %arg5[%arg0, %dma_wait3A, %dma_wait3A_40] : memref<2x10240x128xf32, #tpu.memory_space<hbm>> -> memref<1x10240x128xf32, #tpu.memory_space<hbm>>
      %dma_wait3A_42 = tpu.memref_squeeze %dma_wait3A_41 : memref<1x10240x128xf32, #tpu.memory_space<hbm>> -> memref<10240x128xf32, #tpu.memory_space<hbm>>
      %dma_wait3A_43 = arith.constant 0 : i32
      %dma_wait3A_44 = tpu.memref_slice %dma_wait3A_42[%mul3A_2, %dma_wait3A_43] : memref<10240x128xf32, #tpu.memory_space<hbm>> -> memref<640x128xf32, #tpu.memory_space<hbm>>
      %dma_wait3A_45 = arith.constant 0 : i32
      %dma_wait3A_46 = tpu.memref_slice %arg10[%mul3A_2, %dma_wait3A_45] : memref<10240x128xf32, #tpu.memory_space<vmem_shared>> -> memref<640x128xf32, #tpu.memory_space<vmem_shared>>
      tpu.wait_dma2 semaphore(%run_scoped3A_31 : memref<!tpu.dma_semaphore, #tpu.memory_space<semaphore_mem>>) src(%dma_wait3A_46 : memref<640x128xf32, #tpu.memory_space<vmem_shared>>) dst(%dma_wait3A_44 : memref<640x128xf32, #tpu.memory_space<hbm>>)
      tpu.yield
    }) : () -> ()
    return
  }
}

module attributes {stable_mosaic.version = 14 : i64} {
  func.func @_pre_body(%arg0: i32, %arg1: memref<1024x128xf32, #tpu.memory_space<vmem>>, %arg2: memref<1024x8xf32, #tpu.memory_space<vmem>>, %arg3: memref<1024x8xf32, #tpu.memory_space<vmem>>, %arg4: memref<128x128xf32, #tpu.memory_space<vmem>>, %arg5: memref<1024x128xf32, #tpu.memory_space<vmem>>) attributes {dimension_semantics = [#tpu.dimension_semantics<arbitrary>], iteration_bounds = array<i64: 10>, scalar_prefetch = 0 : i64, scratch_operands = 0 : i64, tpu.core_type = #tpu.core_type<tc>, window_params = [{transform_indices = @transform_0, window_bounds = array<i64: 1024, 128>}, {transform_indices = @transform_1, window_bounds = array<i64: 1024, 8>}, {transform_indices = @transform_2, window_bounds = array<i64: 1024, 8>}, {pipeline_mode = #tpu.pipeline_mode<synchronous>, transform_indices = @transform_3, window_bounds = array<i64: 128, 128>}, {transform_indices = @transform_4, window_bounds = array<i64: 1024, 128>}]} {
    %get3A = arith.constant 0 : index
    %get3A_0 = arith.constant 0 : index
    %get3A_1 = vector.load %arg1[%get3A, %get3A_0] : memref<1024x128xf32, #tpu.memory_space<vmem>>, vector<1024x128xf32>
    %get3A_2 = arith.constant 0 : index
    %get3A_3 = arith.constant 0 : index
    %get3A_4 = vector.load %arg2[%get3A_2, %get3A_3] : memref<1024x8xf32, #tpu.memory_space<vmem>>, vector<1024x1xf32>
    %get3A_5 = arith.constant 0 : index
    %get3A_6 = arith.constant 0 : index
    %get3A_7 = vector.load %arg3[%get3A_5, %get3A_6] : memref<1024x8xf32, #tpu.memory_space<vmem>>, vector<1024x1xf32>
    %add3A = arith.addf %get3A_4, %get3A_7 : vector<1024x1xf32>
    %sub3A = arith.constant 1.000000e+00 : f32
    %sub3A_8 = vector.broadcast %sub3A : f32 to vector<1024x1xf32>
    %sub3A_9 = arith.subf %add3A, %sub3A_8 : vector<1024x1xf32>
    %rsqrt3A = math.rsqrt %sub3A_9 : vector<1024x1xf32>
    %mul3A = vector.broadcast %rsqrt3A : vector<1024x1xf32> to vector<1024x128xf32>
    %mul3A_10 = arith.mulf %get3A_1, %mul3A : vector<1024x128xf32>
    %get3A_11 = arith.constant 0 : index
    %get3A_12 = arith.constant 0 : index
    %get3A_13 = vector.load %arg4[%get3A_11, %get3A_12] : memref<128x128xf32, #tpu.memory_space<vmem>>, vector<128x128xf32>
    %dot_general3A = arith.constant dense<0.000000e+00> : vector<1024x128xf32>
    %dot_general3A_14 = tpu.matmul %mul3A_10, %get3A_13, %dot_general3A {dimension_numbers = #tpu.dot_dimension_numbers<[1], [0], [0], [1], [0, 0, 1, 1], [], []>, precision = #tpu.contract_precision<fp32>, transpose_lhs_hint = false} : vector<1024x128xf32>, vector<128x128xf32>, vector<1024x128xf32> -> vector<1024x128xf32>
    %swap3A = arith.constant 0 : index
    %swap3A_15 = arith.constant 0 : index
    %swap3A_16 = vector.load %arg5[%swap3A, %swap3A_15] : memref<1024x128xf32, #tpu.memory_space<vmem>>, vector<1024x128xf32>
    tpu.vector_store %arg5[%swap3A, %swap3A_15], %dot_general3A_14 {strides = array<i32>} : memref<1024x128xf32, #tpu.memory_space<vmem>>, vector<1024x128xf32>,
    return
  }
  func.func @transform_0(%arg0: i32) -> (i32, i32) {
    %c0_i32 = arith.constant 0 : i32
    %c0_i32_0 = arith.constant 0 : i32
    return %arg0, %c0_i32 : i32, i32
  }
  func.func @transform_1(%arg0: i32) -> (i32, i32) {
    %c0_i32 = arith.constant 0 : i32
    %c0_i32_0 = arith.constant 0 : i32
    return %arg0, %c0_i32 : i32, i32
  }
  func.func @transform_2(%arg0: i32) -> (i32, i32) {
    %c0_i32 = arith.constant 0 : i32
    %c0_i32_0 = arith.constant 0 : i32
    return %arg0, %c0_i32 : i32, i32
  }
  func.func @transform_3(%arg0: i32) -> (i32, i32) {
    %c0_i32 = arith.constant 0 : i32
    %c0_i32_0 = arith.constant 0 : i32
    %c0_i32_1 = arith.constant 0 : i32
    return %c0_i32, %c0_i32_0 : i32, i32
  }
  func.func @transform_4(%arg0: i32) -> (i32, i32) {
    %c0_i32 = arith.constant 0 : i32
    %c0_i32_0 = arith.constant 0 : i32
    return %arg0, %c0_i32 : i32, i32
  }
}

module attributes {stable_mosaic.version = 14 : i64} {
  func.func @_mid_body(%arg0: i32, %arg1: memref<1024x128xf32, #tpu.memory_space<vmem>>, %arg2: memref<1024x128xf32, #tpu.memory_space<vmem>>, %arg3: memref<1024x128xf32, #tpu.memory_space<vmem>>, %arg4: memref<1024x8xf32, #tpu.memory_space<vmem>>, %arg5: memref<1024x8xf32, #tpu.memory_space<vmem>>, %arg6: memref<1x128xf32, #tpu.memory_space<vmem>>, %arg7: memref<128x128xf32, #tpu.memory_space<vmem>>, %arg8: memref<1024x128xf32, #tpu.memory_space<vmem>>) attributes {dimension_semantics = [#tpu.dimension_semantics<arbitrary>], iteration_bounds = array<i64: 10>, scalar_prefetch = 0 : i64, scratch_operands = 0 : i64, tpu.core_type = #tpu.core_type<tc>, window_params = [{transform_indices = @transform_0, window_bounds = array<i64: 1024, 128>}, {transform_indices = @transform_1, window_bounds = array<i64: 1024, 128>}, {transform_indices = @transform_2, window_bounds = array<i64: 1024, 128>}, {transform_indices = @transform_3, window_bounds = array<i64: 1024, 8>}, {transform_indices = @transform_4, window_bounds = array<i64: 1024, 8>}, {pipeline_mode = #tpu.pipeline_mode<synchronous>, transform_indices = @transform_5, window_bounds = array<i64: 1, 128>}, {pipeline_mode = #tpu.pipeline_mode<synchronous>, transform_indices = @transform_6, window_bounds = array<i64: 128, 128>}, {transform_indices = @transform_7, window_bounds = array<i64: 1024, 128>}]} {
    %get3A = arith.constant 0 : index
    %get3A_0 = arith.constant 0 : index
    %get3A_1 = vector.load %arg4[%get3A, %get3A_0] : memref<1024x8xf32, #tpu.memory_space<vmem>>, vector<1024x1xf32>
    %get3A_2 = arith.constant 0 : index
    %get3A_3 = arith.constant 0 : index
    %get3A_4 = vector.load %arg5[%get3A_2, %get3A_3] : memref<1024x8xf32, #tpu.memory_space<vmem>>, vector<1024x1xf32>
    %add3A = arith.addf %get3A_1, %get3A_4 : vector<1024x1xf32>
    %sub3A = arith.constant 1.000000e+00 : f32
    %sub3A_5 = vector.broadcast %sub3A : f32 to vector<1024x1xf32>
    %sub3A_6 = arith.subf %add3A, %sub3A_5 : vector<1024x1xf32>
    %rsqrt3A = math.rsqrt %sub3A_6 : vector<1024x1xf32>
    %get3A_7 = arith.constant 0 : index
    %get3A_8 = arith.constant 0 : index
    %get3A_9 = vector.load %arg1[%get3A_7, %get3A_8] : memref<1024x128xf32, #tpu.memory_space<vmem>>, vector<1024x128xf32>
    %get3A_10 = arith.constant 0 : index
    %get3A_11 = arith.constant 0 : index
    %get3A_12 = vector.load %arg2[%get3A_10, %get3A_11] : memref<1024x128xf32, #tpu.memory_space<vmem>>, vector<1024x128xf32>
    %add3A_13 = arith.addf %get3A_9, %get3A_12 : vector<1024x128xf32>
    %get3A_14 = arith.constant 0 : index
    %get3A_15 = arith.constant 0 : index
    %get3A_16 = vector.load %arg3[%get3A_14, %get3A_15] : memref<1024x128xf32, #tpu.memory_space<vmem>>, vector<1024x128xf32>
    %sub3A_17 = arith.subf %add3A_13, %get3A_16 : vector<1024x128xf32>
    %mul3A = vector.broadcast %rsqrt3A : vector<1024x1xf32> to vector<1024x128xf32>
    %mul3A_18 = arith.mulf %sub3A_17, %mul3A : vector<1024x128xf32>
    %get3A_19 = arith.constant 0 : index
    %get3A_20 = arith.constant 0 : index
    %get3A_21 = vector.load %arg6[%get3A_19, %get3A_20] : memref<1x128xf32, #tpu.memory_space<vmem>>, vector<1x128xf32>
    %add3A_22 = vector.broadcast %get3A_21 : vector<1x128xf32> to vector<1024x128xf32>
    %add3A_23 = arith.addf %mul3A_18, %add3A_22 : vector<1024x128xf32>
    %max3A = arith.constant 0.000000e+00 : f32
    %max3A_24 = vector.broadcast %max3A : f32 to vector<1024x128xf32>
    %max3A_25 = arith.maximumf %add3A_23, %max3A_24 : vector<1024x128xf32>
    %mul3A_26 = vector.broadcast %rsqrt3A : vector<1024x1xf32> to vector<1024x128xf32>
    %mul3A_27 = arith.mulf %max3A_25, %mul3A_26 : vector<1024x128xf32>
    %get3A_28 = arith.constant 0 : index
    %get3A_29 = arith.constant 0 : index
    %get3A_30 = vector.load %arg7[%get3A_28, %get3A_29] : memref<128x128xf32, #tpu.memory_space<vmem>>, vector<128x128xf32>
    %dot_general3A = arith.constant dense<0.000000e+00> : vector<1024x128xf32>
    %dot_general3A_31 = tpu.matmul %mul3A_27, %get3A_30, %dot_general3A {dimension_numbers = #tpu.dot_dimension_numbers<[1], [0], [0], [1], [0, 0, 1, 1], [], []>, precision = #tpu.contract_precision<fp32>, transpose_lhs_hint = false} : vector<1024x128xf32>, vector<128x128xf32>, vector<1024x128xf32> -> vector<1024x128xf32>
    %swap3A = arith.constant 0 : index
    %swap3A_32 = arith.constant 0 : index
    %swap3A_33 = vector.load %arg8[%swap3A, %swap3A_32] : memref<1024x128xf32, #tpu.memory_space<vmem>>, vector<1024x128xf32>
    tpu.vector_store %arg8[%swap3A, %swap3A_32], %dot_general3A_31 {strides = array<i32>} : memref<1024x128xf32, #tpu.memory_space<vmem>>, vector<1024x128xf32>,
    return
  }
  func.func @transform_0(%arg0: i32) -> (i32, i32) {
    %c0_i32 = arith.constant 0 : i32
    %c0_i32_0 = arith.constant 0 : i32
    return %arg0, %c0_i32 : i32, i32
  }
  func.func @transform_1(%arg0: i32) -> (i32, i32) {
    %c0_i32 = arith.constant 0 : i32
    %c0_i32_0 = arith.constant 0 : i32
    return %arg0, %c0_i32 : i32, i32
  }
  func.func @transform_2(%arg0: i32) -> (i32, i32) {
    %c0_i32 = arith.constant 0 : i32
    %c0_i32_0 = arith.constant 0 : i32
    return %arg0, %c0_i32 : i32, i32
  }
  func.func @transform_3(%arg0: i32) -> (i32, i32) {
    %c0_i32 = arith.constant 0 : i32
    %c0_i32_0 = arith.constant 0 : i32
    return %arg0, %c0_i32 : i32, i32
  }
  func.func @transform_4(%arg0: i32) -> (i32, i32) {
    %c0_i32 = arith.constant 0 : i32
    %c0_i32_0 = arith.constant 0 : i32
    return %arg0, %c0_i32 : i32, i32
  }
  func.func @transform_5(%arg0: i32) -> (i32, i32) {
    %c0_i32 = arith.constant 0 : i32
    %c0_i32_0 = arith.constant 0 : i32
    %c0_i32_1 = arith.constant 0 : i32
    return %c0_i32, %c0_i32_0 : i32, i32
  }
  func.func @transform_6(%arg0: i32) -> (i32, i32) {
    %c0_i32 = arith.constant 0 : i32
    %c0_i32_0 = arith.constant 0 : i32
    %c0_i32_1 = arith.constant 0 : i32
    return %c0_i32, %c0_i32_0 : i32, i32
  }
  func.func @transform_7(%arg0: i32) -> (i32, i32) {
    %c0_i32 = arith.constant 0 : i32
    %c0_i32_0 = arith.constant 0 : i32
    return %arg0, %c0_i32 : i32, i32
  }
}

module attributes {stable_mosaic.version = 14 : i64} {
  func.func @_fin_body(%arg0: i32, %arg1: memref<1000x128xf32, #tpu.memory_space<vmem>>, %arg2: memref<1000x128xf32, #tpu.memory_space<vmem>>, %arg3: memref<1000x128xf32, #tpu.memory_space<vmem>>, %arg4: memref<1000x8xf32, #tpu.memory_space<vmem>>, %arg5: memref<1000x8xf32, #tpu.memory_space<vmem>>, %arg6: memref<1x128xf32, #tpu.memory_space<vmem>>, %arg7: memref<128x16xf32, #tpu.memory_space<vmem>>, %arg8: memref<1x16xf32, #tpu.memory_space<vmem>>, %arg9: memref<1000x16xf32, #tpu.memory_space<vmem>>) attributes {dimension_semantics = [#tpu.dimension_semantics<arbitrary>], iteration_bounds = array<i64: 10>, scalar_prefetch = 0 : i64, scratch_operands = 0 : i64, tpu.core_type = #tpu.core_type<tc>, window_params = [{transform_indices = @transform_0, window_bounds = array<i64: 1000, 128>}, {transform_indices = @transform_1, window_bounds = array<i64: 1000, 128>}, {transform_indices = @transform_2, window_bounds = array<i64: 1000, 128>}, {transform_indices = @transform_3, window_bounds = array<i64: 1000, 8>}, {transform_indices = @transform_4, window_bounds = array<i64: 1000, 8>}, {pipeline_mode = #tpu.pipeline_mode<synchronous>, transform_indices = @transform_5, window_bounds = array<i64: 1, 128>}, {pipeline_mode = #tpu.pipeline_mode<synchronous>, transform_indices = @transform_6, window_bounds = array<i64: 128, 16>}, {pipeline_mode = #tpu.pipeline_mode<synchronous>, transform_indices = @transform_7, window_bounds = array<i64: 1, 16>}, {transform_indices = @transform_8, window_bounds = array<i64: 1000, 16>}]} {
    %get3A = arith.constant 0 : index
    %get3A_0 = arith.constant 0 : index
    %get3A_1 = vector.load %arg4[%get3A, %get3A_0] : memref<1000x8xf32, #tpu.memory_space<vmem>>, vector<1000x1xf32>
    %get3A_2 = arith.constant 0 : index
    %get3A_3 = arith.constant 0 : index
    %get3A_4 = vector.load %arg5[%get3A_2, %get3A_3] : memref<1000x8xf32, #tpu.memory_space<vmem>>, vector<1000x1xf32>
    %add3A = arith.addf %get3A_1, %get3A_4 : vector<1000x1xf32>
    %sub3A = arith.constant 1.000000e+00 : f32
    %sub3A_5 = vector.broadcast %sub3A : f32 to vector<1000x1xf32>
    %sub3A_6 = arith.subf %add3A, %sub3A_5 : vector<1000x1xf32>
    %rsqrt3A = math.rsqrt %sub3A_6 : vector<1000x1xf32>
    %get3A_7 = arith.constant 0 : index
    %get3A_8 = arith.constant 0 : index
    %get3A_9 = vector.load %arg1[%get3A_7, %get3A_8] : memref<1000x128xf32, #tpu.memory_space<vmem>>, vector<1000x128xf32>
    %get3A_10 = arith.constant 0 : index
    %get3A_11 = arith.constant 0 : index
    %get3A_12 = vector.load %arg2[%get3A_10, %get3A_11] : memref<1000x128xf32, #tpu.memory_space<vmem>>, vector<1000x128xf32>
    %add3A_13 = arith.addf %get3A_9, %get3A_12 : vector<1000x128xf32>
    %get3A_14 = arith.constant 0 : index
    %get3A_15 = arith.constant 0 : index
    %get3A_16 = vector.load %arg3[%get3A_14, %get3A_15] : memref<1000x128xf32, #tpu.memory_space<vmem>>, vector<1000x128xf32>
    %sub3A_17 = arith.subf %add3A_13, %get3A_16 : vector<1000x128xf32>
    %mul3A = vector.broadcast %rsqrt3A : vector<1000x1xf32> to vector<1000x128xf32>
    %mul3A_18 = arith.mulf %sub3A_17, %mul3A : vector<1000x128xf32>
    %get3A_19 = arith.constant 0 : index
    %get3A_20 = arith.constant 0 : index
    %get3A_21 = vector.load %arg6[%get3A_19, %get3A_20] : memref<1x128xf32, #tpu.memory_space<vmem>>, vector<1x128xf32>
    %add3A_22 = vector.broadcast %get3A_21 : vector<1x128xf32> to vector<1000x128xf32>
    %add3A_23 = arith.addf %mul3A_18, %add3A_22 : vector<1000x128xf32>
    %max3A = arith.constant 0.000000e+00 : f32
    %max3A_24 = vector.broadcast %max3A : f32 to vector<1000x128xf32>
    %max3A_25 = arith.maximumf %add3A_23, %max3A_24 : vector<1000x128xf32>
    %get3A_26 = arith.constant 0 : index
    %get3A_27 = arith.constant 0 : index
    %get3A_28 = vector.load %arg7[%get3A_26, %get3A_27] : memref<128x16xf32, #tpu.memory_space<vmem>>, vector<128x16xf32>
    %dot_general3A = arith.constant dense<0.000000e+00> : vector<1000x16xf32>
    %dot_general3A_29 = tpu.matmul %max3A_25, %get3A_28, %dot_general3A {dimension_numbers = #tpu.dot_dimension_numbers<[1], [0], [0], [1], [0, 0, 1, 1], [], []>, precision = #tpu.contract_precision<fp32>, transpose_lhs_hint = false} : vector<1000x128xf32>, vector<128x16xf32>, vector<1000x16xf32> -> vector<1000x16xf32>
    %get3A_30 = arith.constant 0 : index
    %get3A_31 = arith.constant 0 : index
    %get3A_32 = vector.load %arg8[%get3A_30, %get3A_31] : memref<1x16xf32, #tpu.memory_space<vmem>>, vector<1x16xf32>
    %add3A_33 = vector.broadcast %get3A_32 : vector<1x16xf32> to vector<1000x16xf32>
    %add3A_34 = arith.addf %dot_general3A_29, %add3A_33 : vector<1000x16xf32>
    %swap3A = arith.constant 0 : index
    %swap3A_35 = arith.constant 0 : index
    %swap3A_36 = vector.load %arg9[%swap3A, %swap3A_35] : memref<1000x16xf32, #tpu.memory_space<vmem>>, vector<1000x16xf32>
    tpu.vector_store %arg9[%swap3A, %swap3A_35], %add3A_34 {strides = array<i32>} : memref<1000x16xf32, #tpu.memory_space<vmem>>, vector<1000x16xf32>,
    return
  }
  func.func @transform_0(%arg0: i32) -> (i32, i32) {
    %c0_i32 = arith.constant 0 : i32
    %c0_i32_0 = arith.constant 0 : i32
    return %arg0, %c0_i32 : i32, i32
  }
  func.func @transform_1(%arg0: i32) -> (i32, i32) {
    %c0_i32 = arith.constant 0 : i32
    %c0_i32_0 = arith.constant 0 : i32
    return %arg0, %c0_i32 : i32, i32
  }
  func.func @transform_2(%arg0: i32) -> (i32, i32) {
    %c0_i32 = arith.constant 0 : i32
    %c0_i32_0 = arith.constant 0 : i32
    return %arg0, %c0_i32 : i32, i32
  }
  func.func @transform_3(%arg0: i32) -> (i32, i32) {
    %c0_i32 = arith.constant 0 : i32
    %c0_i32_0 = arith.constant 0 : i32
    return %arg0, %c0_i32 : i32, i32
  }
  func.func @transform_4(%arg0: i32) -> (i32, i32) {
    %c0_i32 = arith.constant 0 : i32
    %c0_i32_0 = arith.constant 0 : i32
    return %arg0, %c0_i32 : i32, i32
  }
  func.func @transform_5(%arg0: i32) -> (i32, i32) {
    %c0_i32 = arith.constant 0 : i32
    %c0_i32_0 = arith.constant 0 : i32
    %c0_i32_1 = arith.constant 0 : i32
    return %c0_i32, %c0_i32_0 : i32, i32
  }
  func.func @transform_6(%arg0: i32) -> (i32, i32) {
    %c0_i32 = arith.constant 0 : i32
    %c0_i32_0 = arith.constant 0 : i32
    %c0_i32_1 = arith.constant 0 : i32
    return %c0_i32, %c0_i32_0 : i32, i32
  }
  func.func @transform_7(%arg0: i32) -> (i32, i32) {
    %c0_i32 = arith.constant 0 : i32
    %c0_i32_0 = arith.constant 0 : i32
    %c0_i32_1 = arith.constant 0 : i32
    return %c0_i32, %c0_i32_0 : i32, i32
  }
  func.func @transform_8(%arg0: i32) -> (i32, i32) {
    %c0_i32 = arith.constant 0 : i32
    %c0_i32_0 = arith.constant 0 : i32
    return %arg0, %c0_i32 : i32, i32
  }
}

</mosaic_0001>

<sc_bundles>
// kernel: kernel.11.cloned.1.call-start
scs
__scs_entry_jumppad:
0x0: {  	(pc) =	sbr.rel $0x88, $3  }
0x1: {  	(tag) =	ssettag $0x0;
	lr =	simm.s32 $0x1  }
0x2: {  	[smem:$0x3F99] =	sst lr;
	_ =	strace $0xD0000000  }
0x3: {  	_ = 	snop  }
0x4: {  	_ = 	snop  }
0x5: {  	_ = 	snop  }
0x6: {  	_ = 	snop  }
0x7: {  	_ = 	snop  }
__scs_overlays_trampoline_lowered:
0x8: {  	[smem:$0x3FA8] =	sst s0  }
0x9: {  	[smem:$0x3FA9] =	sst s1  }
0xa: {  	[smem:$0x3FAA] =	sst s2  }
0xb: {  	[smem:$0x3FAB] =	sst s3  }
0xc: {  	[smem:$0x3FAC] =	sst s4  }
0xd: {  	[smem:$0x3FAD] =	sst s5  }
0xe: {  	[smem:$0x3FAE] =	sst s6  }
0xf: {  	[smem:$0x3FAF] =	sst s7  }
0x10: {  	[smem:$0x3FB0] =	sst s8  }
0x11: {  	[smem:$0x3FB1] =	sst s9;
	s0 =	simm.s32 @!p0 $0x0  }
0x12: {  	s1 =	sld [smem:$0x3F97];
	s0 =	simm.s32 @p0 $0x1  }
0x13: {  	[smem:$0x3FB2] =	sst s0;
	s0 =	simm.s32 @!p1 $0x0  }
0x14: {  	s2 =	sld [smem:$0x3F96];
	s0 =	simm.s32 @p1 $0x1  }
0x15: {  	[smem:$0x3FB3] =	sst s0;
	s0 =	simm.s32 @!p2 $0x0  }
0x16: {  	s3 =	sld [smem:$0x3FDB];
	s0 =	simm.s32 @p2 $0x1  }
0x17: {  	s4 =	simm.s32 $0x1BF5;
	[smem:$0x3FB5] =	sst s0  }
0x18: {  	s0 =	sld [smem:$0x3F98];
	_ =	swait.ge [sflag:s4], $0x0  }
0x19: {  	s7 =	sld [smem:$0x3F99]  }
0x1a: {  	s8 =	sadd.s32 $0xFFFFE003, lr  }
0x1b: {  	s9 =	sadd.s32 $0xFFFFFEF7, lr;
	s5 =	simm.s32 $0xFFFFFFFF;
	p2 =	slt.u32 s8, $0xFFFFF086  }
0x1c: {  	p1 =	slt.u32 s9, $0xF7A;
	s5 =	simm.s32 @!p2 $0x0  }
0x1d: {  	s5 =	simm.s32 @p1 $0x1;
	p0 =	seq.s32 s7, s2  }
0x1e: {  	s7 =	smul.u32 @!p0 $0xF7A, s2;
	p2 =	seq.s32 @!p0 s5, $0x0  }
0x1f: {  	s9 =	smul.u32 $0xF7A, s1;
	s8 =	simm.s32 @!p0 $0x1BF5;
	p2 =	por !p2, p0  }
0x20: {  	[sflag:s8] =	ssyncset.s32 @!p0 $0xFFFFF086;
	s6 =	sadd.s32 @!p0 s3, s7;
	s7 =	simm.s32 @!p0 $0x108  }
0x21: {  	s3 =	sadd.s32 s3, s9;
	s6 =	sadd.s32 @!p0 $0x88, s6;
	s7 =	simm.s32 @p2 $0x1082  }
0x22: {  	[simem:s7], [sflag:s8] =	dma.local @!p0 [hbm:s6], $0xF7A  }
0x23: {  	s9 =	sor.u32 $0xD0000000, s2;
	s6 =	simm.s32 $0x108;
	_ =	swait.ge @!p0 [sflag:s8], $0x0  }
0x24: {  	s3 =	sadd.s32 $0x88, s3;
	s6 =	simm.s32 @!p1 $0x1082;
	[sflag:s4] =	ssyncset.s32 $0xFFFFF086  }
0x25: {  	[simem:s6], [sflag:s4] =	dma.local [hbm:s3], $0xF7A  }
0x26: {  	[smem:$0x3F99] =	sst s1;
	(tag) =	ssettag s2;
	_ =	strace s9  }
0x27: {  	s1 =	sld [smem:$0x3FA9]  }
0x28: {  	s2 =	sld [smem:$0x3FAA]  }
0x29: {  	s4 =	sld [smem:$0x3FAC]  }
0x2a: {  	p0 =	seq.s32 s5, $0x0;
	s5 =	sld [smem:$0x3FAD]  }
0x2b: {  	s6 =	sld [smem:$0x3FAE]  }
0x2c: {  	s7 =	sld [smem:$0x3FAF]  }
0x2d: {  	s3 =	simm.s32 $0x108;
	s8 =	sld [smem:$0x3FB0]  }
0x2e: {  	s3 =	simm.s32 @!p0 $0x1082;
	s9 =	sld [smem:$0x3FB1]  }
0x2f: {  	lr =	sadd.s32 s0, s3;
	s0 =	sld [smem:$0x3FA8]  }
0x30: {  	s3 =	sld [smem:$0x3FAB]  }
0x31: {  	[smem:$0x3FB4] =	sst s10  }
0x32: {  	s10 =	sld [smem:$0x3FB2];
	_ =	sdelay $0x3  }
0x33: {  	p0 =	seq.s32 s10, $0x1;
	s10 =	sld [smem:$0x3FB4];
	_ =	sdelay $0x3  }
0x34: {  	[smem:$0x3FB4] =	sst s10  }
0x35: {  	s10 =	sld [smem:$0x3FB3];
	_ =	sdelay $0x3  }
0x36: {  	p1 =	seq.s32 s10, $0x1;
	s10 =	sld [smem:$0x3FB4];
	_ =	sdelay $0x3  }
0x37: {  	[smem:$0x3FB4] =	sst s10  }
0x38: {  	s10 =	sld [smem:$0x3FB5]  }
0x39: {  	_ = 	snop;
	(pc) =	sbr.ind lr, $3  }
0x3a: {  	_ = 	snop  }
0x3b: {  	_ = 	snop  }
0x3c: {  	p2 =	seq.s32 s10, $0x1;
	s10 =	sld [smem:$0x3FB4]  }
0x3d: {  	_ =	shalt  }
0x3e: {  	_ =	shalt  }
0x3f: {  	_ =	shalt  }
0x40: {  	_ =	shalt  }
0x41: {  	_ =	shalt  }
0x42: {  	_ =	shalt  }
0x43: {  	_ =	shalt  }
0x44: {  	_ =	shalt  }
0x45: {  	_ =	shalt  }
0x46: {  	_ =	shalt  }
0x47: {  	_ =	shalt  }
0x48: {  	_ =	shalt  }
0x49: {  	_ =	shalt  }
0x4a: {  	_ =	shalt  }
0x4b: {  	_ =	shalt  }
0x4c: {  	_ =	shalt  }
0x4d: {  	_ =	shalt  }
0x4e: {  	_ =	shalt  }
0x4f: {  	_ =	shalt  }
0x50: {  	_ =	shalt  }
0x51: {  	_ =	shalt  }
0x52: {  	_ =	shalt  }
0x53: {  	_ =	shalt  }
0x54: {  	_ =	shalt  }
0x55: {  	_ =	shalt  }
0x56: {  	_ =	shalt  }
0x57: {  	_ =	shalt  }
0x58: {  	_ =	shalt  }
0x59: {  	_ =	shalt  }
0x5a: {  	_ =	shalt  }
0x5b: {  	_ =	shalt  }
0x5c: {  	_ =	shalt  }
0x5d: {  	_ =	shalt  }
0x5e: {  	_ =	shalt  }
0x5f: {  	_ =	shalt  }
0x60: {  	_ =	shalt  }
0x61: {  	_ =	shalt  }
0x62: {  	_ =	shalt  }
0x63: {  	_ =	shalt  }
0x64: {  	_ =	shalt  }
0x65: {  	_ =	shalt  }
0x66: {  	_ =	shalt  }
0x67: {  	_ =	shalt  }
0x68: {  	_ =	shalt  }
0x69: {  	_ =	shalt  }
0x6a: {  	_ =	shalt  }
0x6b: {  	_ =	shalt  }
0x6c: {  	_ =	shalt  }
0x6d: {  	_ =	shalt  }
0x6e: {  	_ =	shalt  }
0x6f: {  	_ =	shalt  }
0x70: {  	_ =	shalt  }
0x71: {  	_ =	shalt  }
0x72: {  	_ =	shalt  }
0x73: {  	_ =	shalt  }
0x74: {  	_ =	shalt  }
0x75: {  	_ =	shalt  }
0x76: {  	_ =	shalt  }
0x77: {  	_ =	shalt  }
0x78: {  	_ =	shalt  }
0x79: {  	_ =	shalt  }
0x7a: {  	_ =	shalt  }
0x7b: {  	_ =	shalt  }
0x7c: {  	_ =	shalt  }
0x7d: {  	_ =	shalt  }
0x7e: {  	_ =	shalt  }
0x7f: {  	_ =	shalt  }
0x80: {  	_ =	shalt  }
0x81: {  	_ =	shalt  }
0x82: {  	_ =	shalt  }
0x83: {  	_ =	shalt  }
0x84: {  	_ =	shalt  }
0x85: {  	_ =	shalt  }
0x86: {  	_ =	shalt  }
0x87: {  	_ =	shalt  }
.Lfunc_end0:
.L_simem_size_0:
called_computation.1_lowered:
.L_overlay_start_0:
0x88: {  	s2 =	sld [smem:$0x3FD9]  }
0x89: {  	s3 =	sld [smem:$0x3FFE];
	_ =	sdelay $0x1  }
0x8a: {  	s1 =	srdreg.scid  }
0x8b: {  	s0 =	sand.u32 $0x1, s1  }
0x8c: {  	s16 =	sshll.u32 s0, $0xA;
	s2 =	sadd.s32 s3, s2  }
0x8d: {  	s2 =	sadd.s32 s2, s16  }
0x8e: {  	[smem:$0x3FC0] =	sst s2  }
0x8f: {  	_ = 	snop  }
0x90: {  	(tm) =	ssettm $0x1  }
0x91: {  	s17 =	sld [smem:$0x3FFB];
	_ =	sdelay $0x3  }
0x92: {  	_ =	strace s17  }
0x93: {  	s2 =	sld [smem:$0x3FFC];
	_ =	sdelay $0x3  }
0x94: {  	_ =	strace s2  }
0x95: {  	s2 =	sld [smem:$0x3FFD];
	_ =	sdelay $0x3  }
0x96: {  	_ =	strace s2  }
0x97: {  	_ =	strace $0x8FFFFFFF  }
0x98: {  	s18 =	sld [smem:$0x3FDB];
	_ =	sdelay $0x1  }
0x99: {  	s19 =	simm.s32 $_scs_section_size  }
0x9a: {  	s4 =	simm.s32 $_size__tile_overlayer_lowered;
	s5 =	simm.s32 $_tile_overlayer_lowered  }
0x9b: {  	s22 =	simm.s32 $0x1BFF;
	s21 =	sshll.u32 s5, $0x1;
	s2 =	sadd.s32 s19, s18  }
0x9c: {  	s6 =	simm.s32 $0x0;
	s20 =	sshll.u32 s4, $0x1;
	s4 =	sadd.s32 s21, s2  }
0x9d: {  	[timem:s6], [sflag:s22] =	dma.local [hbm:s4], s20  }
0x9e: {  	_ =	swait.ge [sflag:s22], s20  }
0x9f: {  	s3 =	ssub.s32 $0x0, s20;
	[sflag:s22] =	ssyncset.done $0x0  }
0xa0: {  	[sflag:s22] =	ssyncadd.s32 s3;
	_ =	sdelay $0x1  }
0xa1: {  	s23 =	simm.s32 $0x1B8B  }
0xa2: {  	_ =	swait.ge [sflag:s23], $0x1  }
0xa3: {  	[sflag:s23] =	ssyncset.done $0x0  }
0xa4: {  	s25 =	simm.s32 $0x1B8E;
	s24 =	sld [smem:$0x3FFE];
	[sflag:s23] =	ssyncadd.s32 $0xFFFFFFFF  }
0xa5: {  	s26 =	simm.s32 $execute0_lowered;
	[smem:$0x3FD2] =	sst s25  }
0xa6: {  	s4 =	sshll.u32 s26, $0x1;
	_ =	strace $0x80000049;
	[dreg:$0x1] =	wrdreg $0xFFFFFFFF  }
0xa7: {  	s28 =	simm.s32 $_size_execute0_lowered;
	s2 =	sadd.s32 s2, s4;
	[dreg:$0x0] =	wrdreg $0x0  }
0xa8: {  	s4 =	sshll.u32 s28, $0x1;
	[dreg:$0x2] =	wrdreg s2  }
0xa9: {  	[dreg:$0x3] =	wrdreg s4  }
0xaa: {  	[dreg:$0x4] =	wrdreg $0xC0  }
0xab: {  	_ =	task [dreg:s6], $0x5FFFF  }
0xac: {  	[dreg:$0x1] =	wrdreg $0xFFFFFFFF  }
0xad: {  	[dreg:$0x0] =	wrdreg $0x60  }
0xae: {  	[dreg:$0x2] =	wrdreg s24  }
0xaf: {  	[dreg:$0x3] =	wrdreg $0x90000  }
0xb0: {  	[dreg:$0x4] =	wrdreg $0x9  }
0xb1: {  	_ =	task.clear_ibuf [dreg:s6], $0x5FFFF;
	_ =	strace $0x90000049  }
0xb2: {  	s29 =	simm.s32 $0x9;
	_ =	strace $0x8000004B  }
0xb3: {  	_ =	swait.ge [sflag:s29], $0x1  }
0xb4: {  	[sflag:s29] =	ssyncadd.s32 $0xFFFFFFFF  }
0xb5: {  	_ =	strace $0x9000004B  }
0xb6: {  	_ =	sfence  }
0xb7: {  	s30 =	sld [smem:$0x0];
	_ =	sdelay $0x2  }
0xb8: {  	s31 =	sshll.u32 s1, $0xD;
	s1 =	sshrl.u32 s1, $0x2  }
0xb9: {  	s3 =	sand.u32 $0x4000, s31;
	s1 =	sadd.s32 s1, s30  }
0xba: {  	s0 =	sor.u32 s3, s0;
	s1 =	sshll.u32 s1, $0x11  }
0xbb: {  	s0 =	sor.u32 s1, s0  }
0xbc: {  	s0 =	sadd.s32 $0x8F2B, s0  }
0xbd: {  	[sflag:s0] =	ssyncadd.remote.s32 $0x1  }
0xbe: {  	_ =	sfence.sel $0xFFFF  }
0xbf: {  	[dreg:$0x0] =	wrdreg $0xFFFFFFFF;
	(pc) =	sbr.abs _section_cstart, $3  }
0xc0: {  	[dreg:$0x1] =	wrdreg $0xFFFFFFFF  }
0xc1: {  	_ =	task.clear_ibuf [dreg:s6], $0x2FFFF;
	_ =	strace $0x9FFFFFFF  }
0xc2: {  	(tm) =	ssettm $0x7FFFFFFF  }
0xc3: {  	_ =	shalt  }
tec
execute0_lowered:
.L_overlay_start_1:
0x0: {  	(tag) =	ssettag $0x1  }
0x1: {  	s5 =	rddreg [dreg:$0x0]  }
0x2: {  	s2 =	rddreg [dreg:$0x1];
	s3 =	srdreg.scid  }
0x3: {  	s0 =	rddreg [dreg:$0x2];
	s1 =	stileid.u32;
	s12 =	simm.s32 $0x2000  }
0x4: {  	s13 =	simm.s32 $0x50;
	s14 =	simm.s32 $0x4000;
	s15 =	simm.s32 $0x6800  }
0x5: {  	s16 =	simm.s32 $0x1;
	s17 =	simm.s32 $0x2;
	s18 =	simm.s32 $0x1F80  }
0x6: {  	s19 =	simm.s32 $0x3F00;
	s20 =	simm.s32 $0x3F80;
	s6 =	sand.u32 $0x1, s3  }
0x7: {  	s3 =	simm.s32 $0x0;
	s7 =	sshll.u32 s1, $0xB;
	s9 =	smul.u32 $0x50000, s1  }
0x8: {  	s23 =	smul.u32 $0x2800, s1;
	s31 =	sshll.u32 s1, $0x6;
	s4 =	sshll.u32 s6, $0xF  }
0x9: {  	[smem:$0x7FF] =	sst s3;
	s26 =	smul.u32 $0x28000, s6;
	s28 =	ssub.s32 $0x2, s6  }
0xa: {  	s4 =	sor.u32 s7, s4;
	_ =	strace $0x8000004A;
	s6 =	sshrl.u32 s28, $0x1  }
0xb: {  	s29 =	sshrl.u32 s9, $0x2;
	s8 =	sadd.s32 s4, s5;
	s4 =	sadd.s32 $0x53A00, s5  }
0xc: {  	s10 =	sadd.s32 s26, s5;
	s30 =	ssub.s32 s28, s6;
	s11 =	sadd.s32 s29, s2  }
0xd: {  	s6 =	sor.u32 $0x1C03, s31;
	s5 =	sadd.s32 s4, s23;
	s7 =	sadd.s32 $0x95A00, s8  }
0xe: {  	s8 =	sadd.s32 $0x85A00, s8;
	s24 =	sadd.s32 $0xA5A00, s10;
	s9 =	smax.u32 s30, $0x1  }
0xf: {  	s10 =	sshrl.u32 s11, $0x3;
	s11 =	simm.s32 $0x3;
	s21 =	sadd.s32 $0x400, s7  }
0x10: {  	s22 =	sadd.s32 $0x400, s8;
	s23 =	sadd.s32 s23, s24;
	s24 =	simm.s32 $0x0  }
.LBB2_1:
0x11: {  	[spmem:s10], [sflag:s6] =	dma.local [hbm:s5], $0x2800  }
0x12: {  	_ =	swait.ge [sflag:s11], $0x2800  }
0x13: {  	[sflag:s11] =	ssyncset.done $0x0  }
0x14: {  	[sflag:s11] =	ssyncadd.s32 $0xFFFFD800  }
0x15: {  	[bflag:$0x0] =	sbarrier.arrive $0xFFFF  }
0x16: {  	[tilespmem:s3], [sflag:$0x3] =	stream.linear.gather [hbm4b:s7+s3], $0x2000, $0x38;
	[tilespmem:$0x1D000] =	vst v63  }
0x17: {  	_ =	swait.ge [sflag:s11], $0x2000  }
0x18: {  	[sflag:s11] =	ssyncset.done $0x0  }
0x19: {  	[sflag:s11] =	ssyncadd.s32 $0xFFFFE000  }
0x1a: {  	[tilespmem:s12], [sflag:$0x3] =	stream.linear.gather [hbm4b:s8+s3], $0x2000, $0x38;
	[tilespmem:$0x1D000] =	vst v63  }
0x1b: {  	_ =	swait.ge [sflag:s11], $0x2000  }
0x1c: {  	[sflag:s11] =	ssyncset.done $0x0  }
0x1d: {  	[sflag:s11] =	ssyncadd.s32 $0xFFFFE000  }
0x1e: {  	[tilespmem:s14], [sflag:$0x1] =	stream.indirect.gather [hbm4b:s4+s13], $0x80, s3, s13, $0xb8;
	[tilespmem:$0x1D000] =	vst v63  }
0x1f: {  	s25 =	simm.s32 $0x80  }
0x20: {  	[tilespmem:s15], [sflag:$0x2] =	stream.indirect.gather [hbm4b:s4+s13], $0x80, s25, s13, $0xb8;
	[tilespmem:$0x1D000] =	vst v63  }
0x21: {  	_ =	swait.ge [sflag:s16], $0x2800  }
0x22: {  	[sflag:s16] =	ssyncset.done $0x0  }
0x23: {  	s29 =	simm.s32 $0x2000;
	[sflag:s16] =	ssyncadd.s32 $0xFFFFD800  }
0x24: {  	[spmem:s2] =	stream.indirect.scatter.add.f32 [tilespmem:s14], [sflag:$0x3], $0x80, s29, s13, $0xb8;
	[tilespmem:$0x1D000] =	vst v63  }
0x25: {  	_ =	swait.ge [sflag:s11], $0x2800  }
0x26: {  	[sflag:s11] =	ssyncset.done $0x0  }
0x27: {  	s30 =	simm.s32 $0x100;
	[sflag:s11] =	ssyncadd.s32 $0xFFFFD800  }
0x28: {  	[tilespmem:s14], [sflag:$0x1] =	stream.indirect.gather [hbm4b:s4+s13], $0x80, s30, s13, $0xb8;
	[tilespmem:$0x1D000] =	vst v63  }
0x29: {  	_ =	swait.ge [sflag:s17], $0x2800  }
0x2a: {  	[sflag:s17] =	ssyncset.done $0x0  }
0x2b: {  	s31 =	simm.s32 $0x2080;
	[sflag:s17] =	ssyncadd.s32 $0xFFFFD800  }
0x2c: {  	[spmem:s2] =	stream.indirect.scatter.add.f32 [tilespmem:s15], [sflag:$0x3], $0x80, s31, s13, $0xb8;
	[tilespmem:$0x1D000] =	vst v63  }
0x2d: {  	_ =	swait.ge [sflag:s11], $0x2800  }
0x2e: {  	s26 =	simm.s32 $0x800;
	s25 =	simm.s32 $0x100;
	[sflag:s11] =	ssyncset.done $0x0  }
.LBB2_2:
0x2f: {  	s28 =	sadd.s32 $0x80, s25  }
0x30: {  	[sflag:s11] =	ssyncadd.s32 $0xFFFFD800;
	s29 =	smov.u32 s26;
	s30 =	sadd.s32 $0x400, s26  }
0x31: {  	[tilespmem:s15], [sflag:$0x2] =	stream.indirect.gather [hbm4b:s4+s13], $0x80, s28, s13, $0xb8;
	[tilespmem:$0x1D000] =	vst v63  }
0x32: {  	p0 =	sne.s32 s26, $0x7800;
	_ =	swait.ge [sflag:s16], $0x2800  }
0x33: {  	[sflag:s16] =	ssyncset.done $0x0  }
0x34: {  	s26 =	sadd.s32 $0x2000, s25;
	[sflag:s16] =	ssyncadd.s32 $0xFFFFD800  }
0x35: {  	[spmem:s2] =	stream.indirect.scatter.add.f32 [tilespmem:s14], [sflag:$0x3], $0x80, s26, s13, $0xb8;
	[tilespmem:$0x1D000] =	vst v63  }
0x36: {  	_ =	swait.ge [sflag:s11], $0x2800  }
0x37: {  	[sflag:s11] =	ssyncset.done $0x0  }
0x38: {  	s26 =	sadd.s32 $0x100, s25;
	[sflag:s11] =	ssyncadd.s32 $0xFFFFD800  }
0x39: {  	[tilespmem:s14], [sflag:$0x1] =	stream.indirect.gather [hbm4b:s4+s13], $0x80, s26, s13, $0xb8;
	[tilespmem:$0x1D000] =	vst v63  }
0x3a: {  	_ =	swait.ge [sflag:s17], $0x2800  }
.Ltmp0:
0x3b: {  	[sflag:s17] =	ssyncset.done $0x0;
	(pc) =	sbr.rel @p0 .LBB2_2-.Ltmp0, $4  }
0x3c: {  	s25 =	sadd.s32 $0x2080, s25;
	[sflag:s17] =	ssyncadd.s32 $0xFFFFD800  }
0x3d: {  	[spmem:s2] =	stream.indirect.scatter.add.f32 [tilespmem:s15], [sflag:$0x3], $0x80, s25, s13, $0xb8;
	[tilespmem:$0x1D000] =	vst v63  }
0x3e: {  	_ =	swait.ge [sflag:s11], $0x2800  }
0x3f: {  	s26 =	smov.u32 s30;
	s25 =	sshra.s32 s29, $0x2;
	[sflag:s11] =	ssyncset.done $0x0  }
0x40: {  	s26 =	sadd.s32 $0x80, s25;
	[sflag:s11] =	ssyncadd.s32 $0xFFFFD800  }
0x41: {  	[tilespmem:s15], [sflag:$0x2] =	stream.indirect.gather [hbm4b:s4+s13], $0x80, s26, s13, $0xb8;
	[tilespmem:$0x1D000] =	vst v63  }
0x42: {  	_ =	swait.ge [sflag:s16], $0x2800  }
0x43: {  	[sflag:s16] =	ssyncset.done $0x0  }
0x44: {  	s29 =	sadd.s32 $0x2000, s25;
	[sflag:s16] =	ssyncadd.s32 $0xFFFFD800  }
0x45: {  	[spmem:s2] =	stream.indirect.scatter.add.f32 [tilespmem:s14], [sflag:$0x3], $0x80, s29, s13, $0xb8;
	[tilespmem:$0x1D000] =	vst v63  }
0x46: {  	_ =	swait.ge [sflag:s11], $0x2800  }
0x47: {  	[sflag:s11] =	ssyncset.done $0x0  }
0x48: {  	s30 =	sadd.s32 $0x100, s25;
	[sflag:s11] =	ssyncadd.s32 $0xFFFFD800  }
0x49: {  	[tilespmem:s14], [sflag:$0x1] =	stream.indirect.gather [hbm4b:s4+s13], $0x80, s30, s13, $0xb8;
	[tilespmem:$0x1D000] =	vst v63  }
0x4a: {  	_ =	swait.ge [sflag:s17], $0x2800  }
0x4b: {  	[sflag:s17] =	ssyncset.done $0x0  }
0x4c: {  	s31 =	sadd.s32 $0x2080, s25;
	[sflag:s17] =	ssyncadd.s32 $0xFFFFD800  }
0x4d: {  	[spmem:s2] =	stream.indirect.scatter.add.f32 [tilespmem:s15], [sflag:$0x3], $0x80, s31, s13, $0xb8;
	[tilespmem:$0x1D000] =	vst v63  }
0x4e: {  	_ =	swait.ge [sflag:s11], $0x2800  }
0x4f: {  	[sflag:s11] =	ssyncset.done $0x0  }
0x50: {  	[sflag:s11] =	ssyncadd.s32 $0xFFFFD800  }
0x51: {  	[tilespmem:s15], [sflag:$0x2] =	stream.indirect.gather [hbm4b:s4+s13], $0x80, s18, s13, $0xb8;
	[tilespmem:$0x1D000] =	vst v63  }
0x52: {  	_ =	swait.ge [sflag:s16], $0x2800  }
0x53: {  	[sflag:s16] =	ssyncset.done $0x0  }
0x54: {  	[sflag:s16] =	ssyncadd.s32 $0xFFFFD800  }
0x55: {  	[spmem:s2] =	stream.indirect.scatter.add.f32 [tilespmem:s14], [sflag:$0x3], $0x80, s19, s13, $0xb8;
	[tilespmem:$0x1D000] =	vst v63  }
0x56: {  	_ =	swait.ge [sflag:s11], $0x2800  }
0x57: {  	[sflag:s11] =	ssyncset.done $0x0  }
0x58: {  	[sflag:s11] =	ssyncadd.s32 $0xFFFFD800  }
0x59: {  	_ =	swait.ge [sflag:s17], $0x2800  }
0x5a: {  	[sflag:s17] =	ssyncset.done $0x0  }
0x5b: {  	[sflag:s17] =	ssyncadd.s32 $0xFFFFD800  }
0x5c: {  	[spmem:s2] =	stream.indirect.scatter.add.f32 [tilespmem:s15], [sflag:$0x3], $0x80, s20, s13, $0xb8;
	[tilespmem:$0x1D000] =	vst v63  }
0x5d: {  	_ =	swait.ge [sflag:s11], $0x2800  }
0x5e: {  	[sflag:s11] =	ssyncset.done $0x0  }
0x5f: {  	s26 =	simm.s32 $0x0;
	[sflag:s11] =	ssyncadd.s32 $0xFFFFD800  }
0x60: {  	[tilespmem:s26], [sflag:$0x3] =	stream.linear.gather [hbm4b:s21+s26], $0x2000, $0x38;
	[tilespmem:$0x1D000] =	vst v63  }
0x61: {  	_ =	swait.ge [sflag:s11], $0x2000  }
0x62: {  	[sflag:s11] =	ssyncset.done $0x0  }
0x63: {  	[sflag:s11] =	ssyncadd.s32 $0xFFFFE000  }
0x64: {  	[tilespmem:s12], [sflag:$0x3] =	stream.linear.gather [hbm4b:s22+s26], $0x2000, $0x38;
	[tilespmem:$0x1D000] =	vst v63  }
0x65: {  	_ =	swait.ge [sflag:s11], $0x2000  }
0x66: {  	[sflag:s11] =	ssyncset.done $0x0  }
0x67: {  	[sflag:s11] =	ssyncadd.s32 $0xFFFFE000  }
0x68: {  	[tilespmem:s14], [sflag:$0x1] =	stream.indirect.gather [hbm4b:s4+s13], $0x80, s26, s13, $0xb8;
	[tilespmem:$0x1D000] =	vst v63  }
0x69: {  	s28 =	simm.s32 $0x80  }
0x6a: {  	[tilespmem:s15], [sflag:$0x2] =	stream.indirect.gather [hbm4b:s4+s13], $0x80, s28, s13, $0xb8;
	[tilespmem:$0x1D000] =	vst v63  }
0x6b: {  	_ =	swait.ge [sflag:s16], $0x2800  }
0x6c: {  	[sflag:s16] =	ssyncset.done $0x0  }
0x6d: {  	s29 =	simm.s32 $0x2000;
	[sflag:s16] =	ssyncadd.s32 $0xFFFFD800  }
0x6e: {  	[spmem:s2] =	stream.indirect.scatter.add.f32 [tilespmem:s14], [sflag:$0x3], $0x80, s29, s13, $0xb8;
	[tilespmem:$0x1D000] =	vst v63  }
0x6f: {  	_ =	swait.ge [sflag:s11], $0x2800  }
0x70: {  	[sflag:s11] =	ssyncset.done $0x0  }
0x71: {  	s30 =	simm.s32 $0x100;
	[sflag:s11] =	ssyncadd.s32 $0xFFFFD800  }
0x72: {  	[tilespmem:s14], [sflag:$0x1] =	stream.indirect.gather [hbm4b:s4+s13], $0x80, s30, s13, $0xb8;
	[tilespmem:$0x1D000] =	vst v63  }
0x73: {  	_ =	swait.ge [sflag:s17], $0x2800  }
0x74: {  	[sflag:s17] =	ssyncset.done $0x0  }
0x75: {  	s31 =	simm.s32 $0x2080;
	[sflag:s17] =	ssyncadd.s32 $0xFFFFD800  }
0x76: {  	[spmem:s2] =	stream.indirect.scatter.add.f32 [tilespmem:s15], [sflag:$0x3], $0x80, s31, s13, $0xb8;
	[tilespmem:$0x1D000] =	vst v63  }
0x77: {  	_ =	swait.ge [sflag:s11], $0x2800  }
0x78: {  	s25 =	simm.s32 $0x100;
	s26 =	simm.s32 $0x800;
	[sflag:s11] =	ssyncset.done $0x0  }
.LBB2_4:
0x79: {  	s28 =	sadd.s32 $0x80, s25  }
0x7a: {  	[sflag:s11] =	ssyncadd.s32 $0xFFFFD800;
	s29 =	smov.u32 s26;
	s30 =	sadd.s32 $0x400, s26  }
0x7b: {  	[tilespmem:s15], [sflag:$0x2] =	stream.indirect.gather [hbm4b:s4+s13], $0x80, s28, s13, $0xb8;
	[tilespmem:$0x1D000] =	vst v63  }
0x7c: {  	p0 =	sne.s32 s26, $0x7800;
	_ =	swait.ge [sflag:s16], $0x2800  }
0x7d: {  	[sflag:s16] =	ssyncset.done $0x0  }
0x7e: {  	s26 =	sadd.s32 $0x2000, s25;
	[sflag:s16] =	ssyncadd.s32 $0xFFFFD800  }
0x7f: {  	[spmem:s2] =	stream.indirect.scatter.add.f32 [tilespmem:s14], [sflag:$0x3], $0x80, s26, s13, $0xb8;
	[tilespmem:$0x1D000] =	vst v63  }
0x80: {  	_ =	swait.ge [sflag:s11], $0x2800  }
0x81: {  	[sflag:s11] =	ssyncset.done $0x0  }
0x82: {  	s26 =	sadd.s32 $0x100, s25;
	[sflag:s11] =	ssyncadd.s32 $0xFFFFD800  }
0x83: {  	[tilespmem:s14], [sflag:$0x1] =	stream.indirect.gather [hbm4b:s4+s13], $0x80, s26, s13, $0xb8;
	[tilespmem:$0x1D000] =	vst v63  }
0x84: {  	_ =	swait.ge [sflag:s17], $0x2800  }
.Ltmp1:
0x85: {  	[sflag:s17] =	ssyncset.done $0x0;
	(pc) =	sbr.rel @p0 .LBB2_4-.Ltmp1, $4  }
0x86: {  	s25 =	sadd.s32 $0x2080, s25;
	[sflag:s17] =	ssyncadd.s32 $0xFFFFD800  }
0x87: {  	[spmem:s2] =	stream.indirect.scatter.add.f32 [tilespmem:s15], [sflag:$0x3], $0x80, s25, s13, $0xb8;
	[tilespmem:$0x1D000] =	vst v63  }
0x88: {  	_ =	swait.ge [sflag:s11], $0x2800  }
0x89: {  	s26 =	smov.u32 s30;
	s25 =	sshra.s32 s29, $0x2;
	[sflag:s11] =	ssyncset.done $0x0  }
0x8a: {  	s26 =	sadd.s32 $0x80, s25;
	[sflag:s11] =	ssyncadd.s32 $0xFFFFD800  }
0x8b: {  	[tilespmem:s15], [sflag:$0x2] =	stream.indirect.gather [hbm4b:s4+s13], $0x80, s26, s13, $0xb8;
	[tilespmem:$0x1D000] =	vst v63  }
0x8c: {  	_ =	swait.ge [sflag:s16], $0x2800  }
0x8d: {  	[sflag:s16] =	ssyncset.done $0x0  }
0x8e: {  	s29 =	sadd.s32 $0x2000, s25;
	[sflag:s16] =	ssyncadd.s32 $0xFFFFD800  }
0x8f: {  	[spmem:s2] =	stream.indirect.scatter.add.f32 [tilespmem:s14], [sflag:$0x3], $0x80, s29, s13, $0xb8;
	[tilespmem:$0x1D000] =	vst v63  }
0x90: {  	_ =	swait.ge [sflag:s11], $0x2800  }
0x91: {  	[sflag:s11] =	ssyncset.done $0x0  }
0x92: {  	s30 =	sadd.s32 $0x100, s25;
	[sflag:s11] =	ssyncadd.s32 $0xFFFFD800  }
0x93: {  	[tilespmem:s14], [sflag:$0x1] =	stream.indirect.gather [hbm4b:s4+s13], $0x80, s30, s13, $0xb8;
	[tilespmem:$0x1D000] =	vst v63  }
0x94: {  	_ =	swait.ge [sflag:s17], $0x2800  }
0x95: {  	[sflag:s17] =	ssyncset.done $0x0  }
0x96: {  	s31 =	sadd.s32 $0x2080, s25;
	[sflag:s17] =	ssyncadd.s32 $0xFFFFD800  }
0x97: {  	[spmem:s2] =	stream.indirect.scatter.add.f32 [tilespmem:s15], [sflag:$0x3], $0x80, s31, s13, $0xb8;
	[tilespmem:$0x1D000] =	vst v63  }
0x98: {  	_ =	swait.ge [sflag:s11], $0x2800  }
0x99: {  	[sflag:s11] =	ssyncset.done $0x0  }
0x9a: {  	[sflag:s11] =	ssyncadd.s32 $0xFFFFD800  }
0x9b: {  	[tilespmem:s15], [sflag:$0x2] =	stream.indirect.gather [hbm4b:s4+s13], $0x80, s18, s13, $0xb8;
	[tilespmem:$0x1D000] =	vst v63  }
0x9c: {  	_ =	swait.ge [sflag:s16], $0x2800  }
0x9d: {  	[sflag:s16] =	ssyncset.done $0x0  }
0x9e: {  	[sflag:s16] =	ssyncadd.s32 $0xFFFFD800  }
0x9f: {  	[spmem:s2] =	stream.indirect.scatter.add.f32 [tilespmem:s14], [sflag:$0x3], $0x80, s19, s13, $0xb8;
	[tilespmem:$0x1D000] =	vst v63  }
0xa0: {  	_ =	swait.ge [sflag:s11], $0x2800  }
0xa1: {  	[sflag:s11] =	ssyncset.done $0x0  }
0xa2: {  	[sflag:s11] =	ssyncadd.s32 $0xFFFFD800  }
0xa3: {  	_ =	swait.ge [sflag:s17], $0x2800  }
0xa4: {  	[sflag:s17] =	ssyncset.done $0x0  }
0xa5: {  	[sflag:s17] =	ssyncadd.s32 $0xFFFFD800  }
0xa6: {  	[spmem:s2] =	stream.indirect.scatter.add.f32 [tilespmem:s15], [sflag:$0x3], $0x80, s20, s13, $0xb8;
	[tilespmem:$0x1D000] =	vst v63  }
0xa7: {  	_ =	swait.ge [sflag:s11], $0x2800  }
0xa8: {  	s24 =	sadd.s32 $0x1, s24;
	[sflag:s11] =	ssyncset.done $0x0  }
0xa9: {  	p0 =	sne.s32 s24, s9;
	[sflag:s11] =	ssyncadd.s32 $0xFFFFD800  }
.Ltmp2:
0xaa: {  	[bflag:$0x0] =	sbarrier.arrive $0xFFFF;
	(pc) =	sbr.rel @p0 .LBB2_1-.Ltmp2, $4  }
0xab: {  	[hbm:s23], [sflag:s6] =	dma.local [spmem:s10], $0x2800  }
0xac: {  	_ =	swait.ge [sflag:s11], $0x2800  }
0xad: {  	[sflag:s11] =	ssyncset.done $0x0  }
0xae: {  	[sflag:s11] =	ssyncadd.s32 $0xFFFFD800  }
0xaf: {  	_ =	sfence.sel $0x180000  }
0xb0: {  	[bflag:$0x0] =	sbarrier.arrive $0xFFFF  }
0xb1: {  	p0 =	sne.s32 s1, $0x0;
	_ =	strace $0x9000004A  }
0xb2: {  	s0 =	sadd.s32 @!p0 $0x100000, s0;
	[bflag:$0x2] =	sbarrier.arrive $0xFFFF  }
0xb3: {  	[sflag:s0] =	ssyncadd.tile.s32 @!p0 $0x1;
	_ =	shalt  }
.Lfunc_end2:
_tile_overlayer_lowered:
.L_overlay_start_2:
0xb4: {  	(tag) =	ssettag $0x2  }
0xb5: {  	s0 =	rddreg [dreg:$0x0];
	s2 =	stileid.u32  }
0xb6: {  	s1 =	rddreg [dreg:$0x1];
	p0 =	sne.s32 s2, $0x0  }
0xb7: {  	s3 =	rddreg [dreg:$0x2];
	[bflag:$0x3] =	sbarrier.arrive $0xFFFF;
	s2 =	simm.s32 @!p0 $0x1C03  }
0xb8: {  	[timem:s3], [sflag:s2] =	dma.local @!p0 [hbm:s0], s1  }
0xb9: {  	s0 =	simm.s32 @!p0 $0x3  }
0xba: {  	_ =	swait.ge @!p0 [sflag:s0], s1  }
0xbb: {  	s1 =	ssub.s32 @!p0 $0x0, s1;
	[sflag:s0] =	ssyncset.done @!p0 $0x0  }
0xbc: {  	[sflag:s0] =	ssyncadd.s32 @!p0 s1  }
0xbd: {  	[bflag:$0x3] =	sbarrier.arrive $0xFFFF  }
0xbe: {  	_ =	shalt  }

// kernel: kernel.14.cloned.1.call-start
scs
__scs_entry_jumppad:
0x0: {  	(pc) =	sbr.rel $0x88, $3  }
0x1: {  	(tag) =	ssettag $0x0;
	lr =	simm.s32 $0x1  }
0x2: {  	[smem:$0x3F99] =	sst lr;
	_ =	strace $0xD0000000  }
0x3: {  	_ = 	snop  }
0x4: {  	_ = 	snop  }
0x5: {  	_ = 	snop  }
0x6: {  	_ = 	snop  }
0x7: {  	_ = 	snop  }
__scs_overlays_trampoline_lowered:
0x8: {  	[smem:$0x3FA8] =	sst s0  }
0x9: {  	[smem:$0x3FA9] =	sst s1  }
0xa: {  	[smem:$0x3FAA] =	sst s2  }
0xb: {  	[smem:$0x3FAB] =	sst s3  }
0xc: {  	[smem:$0x3FAC] =	sst s4  }
0xd: {  	[smem:$0x3FAD] =	sst s5  }
0xe: {  	[smem:$0x3FAE] =	sst s6  }
0xf: {  	[smem:$0x3FAF] =	sst s7  }
0x10: {  	[smem:$0x3FB0] =	sst s8  }
0x11: {  	[smem:$0x3FB1] =	sst s9;
	s0 =	simm.s32 @!p0 $0x0  }
0x12: {  	s1 =	sld [smem:$0x3F97];
	s0 =	simm.s32 @p0 $0x1  }
0x13: {  	[smem:$0x3FB2] =	sst s0;
	s0 =	simm.s32 @!p1 $0x0  }
0x14: {  	s2 =	sld [smem:$0x3F96];
	s0 =	simm.s32 @p1 $0x1  }
0x15: {  	[smem:$0x3FB3] =	sst s0;
	s0 =	simm.s32 @!p2 $0x0  }
0x16: {  	s3 =	sld [smem:$0x3FDB];
	s0 =	simm.s32 @p2 $0x1  }
0x17: {  	s4 =	simm.s32 $0x1BF5;
	[smem:$0x3FB5] =	sst s0  }
0x18: {  	s0 =	sld [smem:$0x3F98];
	_ =	swait.ge [sflag:s4], $0x0  }
0x19: {  	s7 =	sld [smem:$0x3F99]  }
0x1a: {  	s8 =	sadd.s32 $0xFFFFE003, lr  }
0x1b: {  	s9 =	sadd.s32 $0xFFFFFEF7, lr;
	s5 =	simm.s32 $0xFFFFFFFF;
	p2 =	slt.u32 s8, $0xFFFFF086  }
0x1c: {  	p1 =	slt.u32 s9, $0xF7A;
	s5 =	simm.s32 @!p2 $0x0  }
0x1d: {  	s5 =	simm.s32 @p1 $0x1;
	p0 =	seq.s32 s7, s2  }
0x1e: {  	s7 =	smul.u32 @!p0 $0xF7A, s2;
	p2 =	seq.s32 @!p0 s5, $0x0  }
0x1f: {  	s9 =	smul.u32 $0xF7A, s1;
	s8 =	simm.s32 @!p0 $0x1BF5;
	p2 =	por !p2, p0  }
0x20: {  	[sflag:s8] =	ssyncset.s32 @!p0 $0xFFFFF086;
	s6 =	sadd.s32 @!p0 s3, s7;
	s7 =	simm.s32 @!p0 $0x108  }
0x21: {  	s3 =	sadd.s32 s3, s9;
	s6 =	sadd.s32 @!p0 $0x88, s6;
	s7 =	simm.s32 @p2 $0x1082  }
0x22: {  	[simem:s7], [sflag:s8] =	dma.local @!p0 [hbm:s6], $0xF7A  }
0x23: {  	s9 =	sor.u32 $0xD0000000, s2;
	s6 =	simm.s32 $0x108;
	_ =	swait.ge @!p0 [sflag:s8], $0x0  }
0x24: {  	s3 =	sadd.s32 $0x88, s3;
	s6 =	simm.s32 @!p1 $0x1082;
	[sflag:s4] =	ssyncset.s32 $0xFFFFF086  }
0x25: {  	[simem:s6], [sflag:s4] =	dma.local [hbm:s3], $0xF7A  }
0x26: {  	[smem:$0x3F99] =	sst s1;
	(tag) =	ssettag s2;
	_ =	strace s9  }
0x27: {  	s1 =	sld [smem:$0x3FA9]  }
0x28: {  	s2 =	sld [smem:$0x3FAA]  }
0x29: {  	s4 =	sld [smem:$0x3FAC]  }
0x2a: {  	p0 =	seq.s32 s5, $0x0;
	s5 =	sld [smem:$0x3FAD]  }
0x2b: {  	s6 =	sld [smem:$0x3FAE]  }
0x2c: {  	s7 =	sld [smem:$0x3FAF]  }
0x2d: {  	s3 =	simm.s32 $0x108;
	s8 =	sld [smem:$0x3FB0]  }
0x2e: {  	s3 =	simm.s32 @!p0 $0x1082;
	s9 =	sld [smem:$0x3FB1]  }
0x2f: {  	lr =	sadd.s32 s0, s3;
	s0 =	sld [smem:$0x3FA8]  }
0x30: {  	s3 =	sld [smem:$0x3FAB]  }
0x31: {  	[smem:$0x3FB4] =	sst s10  }
0x32: {  	s10 =	sld [smem:$0x3FB2];
	_ =	sdelay $0x3  }
0x33: {  	p0 =	seq.s32 s10, $0x1;
	s10 =	sld [smem:$0x3FB4];
	_ =	sdelay $0x3  }
0x34: {  	[smem:$0x3FB4] =	sst s10  }
0x35: {  	s10 =	sld [smem:$0x3FB3];
	_ =	sdelay $0x3  }
0x36: {  	p1 =	seq.s32 s10, $0x1;
	s10 =	sld [smem:$0x3FB4];
	_ =	sdelay $0x3  }
0x37: {  	[smem:$0x3FB4] =	sst s10  }
0x38: {  	s10 =	sld [smem:$0x3FB5]  }
0x39: {  	_ = 	snop;
	(pc) =	sbr.ind lr, $3  }
0x3a: {  	_ = 	snop  }
0x3b: {  	_ = 	snop  }
0x3c: {  	p2 =	seq.s32 s10, $0x1;
	s10 =	sld [smem:$0x3FB4]  }
0x3d: {  	_ =	shalt  }
0x3e: {  	_ =	shalt  }
0x3f: {  	_ =	shalt  }
0x40: {  	_ =	shalt  }
0x41: {  	_ =	shalt  }
0x42: {  	_ =	shalt  }
0x43: {  	_ =	shalt  }
0x44: {  	_ =	shalt  }
0x45: {  	_ =	shalt  }
0x46: {  	_ =	shalt  }
0x47: {  	_ =	shalt  }
0x48: {  	_ =	shalt  }
0x49: {  	_ =	shalt  }
0x4a: {  	_ =	shalt  }
0x4b: {  	_ =	shalt  }
0x4c: {  	_ =	shalt  }
0x4d: {  	_ =	shalt  }
0x4e: {  	_ =	shalt  }
0x4f: {  	_ =	shalt  }
0x50: {  	_ =	shalt  }
0x51: {  	_ =	shalt  }
0x52: {  	_ =	shalt  }
0x53: {  	_ =	shalt  }
0x54: {  	_ =	shalt  }
0x55: {  	_ =	shalt  }
0x56: {  	_ =	shalt  }
0x57: {  	_ =	shalt  }
0x58: {  	_ =	shalt  }
0x59: {  	_ =	shalt  }
0x5a: {  	_ =	shalt  }
0x5b: {  	_ =	shalt  }
0x5c: {  	_ =	shalt  }
0x5d: {  	_ =	shalt  }
0x5e: {  	_ =	shalt  }
0x5f: {  	_ =	shalt  }
0x60: {  	_ =	shalt  }
0x61: {  	_ =	shalt  }
0x62: {  	_ =	shalt  }
0x63: {  	_ =	shalt  }
0x64: {  	_ =	shalt  }
0x65: {  	_ =	shalt  }
0x66: {  	_ =	shalt  }
0x67: {  	_ =	shalt  }
0x68: {  	_ =	shalt  }
0x69: {  	_ =	shalt  }
0x6a: {  	_ =	shalt  }
0x6b: {  	_ =	shalt  }
0x6c: {  	_ =	shalt  }
0x6d: {  	_ =	shalt  }
0x6e: {  	_ =	shalt  }
0x6f: {  	_ =	shalt  }
0x70: {  	_ =	shalt  }
0x71: {  	_ =	shalt  }
0x72: {  	_ =	shalt  }
0x73: {  	_ =	shalt  }
0x74: {  	_ =	shalt  }
0x75: {  	_ =	shalt  }
0x76: {  	_ =	shalt  }
0x77: {  	_ =	shalt  }
0x78: {  	_ =	shalt  }
0x79: {  	_ =	shalt  }
0x7a: {  	_ =	shalt  }
0x7b: {  	_ =	shalt  }
0x7c: {  	_ =	shalt  }
0x7d: {  	_ =	shalt  }
0x7e: {  	_ =	shalt  }
0x7f: {  	_ =	shalt  }
0x80: {  	_ =	shalt  }
0x81: {  	_ =	shalt  }
0x82: {  	_ =	shalt  }
0x83: {  	_ =	shalt  }
0x84: {  	_ =	shalt  }
0x85: {  	_ =	shalt  }
0x86: {  	_ =	shalt  }
0x87: {  	_ =	shalt  }
.Lfunc_end0:
.L_simem_size_0:
called_computation.2_lowered:
.L_overlay_start_0:
0x88: {  	s2 =	sld [smem:$0x3FD9]  }
0x89: {  	s3 =	sld [smem:$0x3FFE];
	_ =	sdelay $0x1  }
0x8a: {  	s1 =	srdreg.scid  }
0x8b: {  	s0 =	sand.u32 $0x1, s1  }
0x8c: {  	s16 =	sshll.u32 s0, $0xA;
	s2 =	sadd.s32 s3, s2  }
0x8d: {  	s2 =	sadd.s32 s2, s16  }
0x8e: {  	[smem:$0x3FC0] =	sst s2  }
0x8f: {  	_ = 	snop  }
0x90: {  	(tm) =	ssettm $0x1  }
0x91: {  	s17 =	sld [smem:$0x3FFB];
	_ =	sdelay $0x3  }
0x92: {  	_ =	strace s17  }
0x93: {  	s2 =	sld [smem:$0x3FFC];
	_ =	sdelay $0x3  }
0x94: {  	_ =	strace s2  }
0x95: {  	s2 =	sld [smem:$0x3FFD];
	_ =	sdelay $0x3  }
0x96: {  	_ =	strace s2  }
0x97: {  	_ =	strace $0x8FFFFFFF  }
0x98: {  	s18 =	sld [smem:$0x3FDB];
	_ =	sdelay $0x1  }
0x99: {  	s19 =	simm.s32 $_scs_section_size  }
0x9a: {  	s4 =	simm.s32 $_size__tile_overlayer_lowered;
	s5 =	simm.s32 $_tile_overlayer_lowered  }
0x9b: {  	s22 =	simm.s32 $0x1BFF;
	s21 =	sshll.u32 s5, $0x1;
	s2 =	sadd.s32 s19, s18  }
0x9c: {  	s6 =	simm.s32 $0x0;
	s20 =	sshll.u32 s4, $0x1;
	s4 =	sadd.s32 s21, s2  }
0x9d: {  	[timem:s6], [sflag:s22] =	dma.local [hbm:s4], s20  }
0x9e: {  	_ =	swait.ge [sflag:s22], s20  }
0x9f: {  	s3 =	ssub.s32 $0x0, s20;
	[sflag:s22] =	ssyncset.done $0x0  }
0xa0: {  	[sflag:s22] =	ssyncadd.s32 s3;
	_ =	sdelay $0x1  }
0xa1: {  	s23 =	simm.s32 $0x1B8B  }
0xa2: {  	_ =	swait.ge [sflag:s23], $0x1  }
0xa3: {  	[sflag:s23] =	ssyncset.done $0x0  }
0xa4: {  	s25 =	simm.s32 $0x1B8E;
	s24 =	sld [smem:$0x3FFE];
	[sflag:s23] =	ssyncadd.s32 $0xFFFFFFFF  }
0xa5: {  	s26 =	simm.s32 $execute0_lowered;
	[smem:$0x3FD2] =	sst s25  }
0xa6: {  	s4 =	sshll.u32 s26, $0x1;
	_ =	strace $0x8000004C;
	[dreg:$0x1] =	wrdreg $0xFFFFFFFF  }
0xa7: {  	s28 =	simm.s32 $_size_execute0_lowered;
	s2 =	sadd.s32 s2, s4;
	[dreg:$0x0] =	wrdreg $0x0  }
0xa8: {  	s4 =	sshll.u32 s28, $0x1;
	[dreg:$0x2] =	wrdreg s2  }
0xa9: {  	[dreg:$0x3] =	wrdreg s4  }
0xaa: {  	[dreg:$0x4] =	wrdreg $0xC0  }
0xab: {  	_ =	task [dreg:s6], $0x5FFFF  }
0xac: {  	[dreg:$0x1] =	wrdreg $0xFFFFFFFF  }
0xad: {  	[dreg:$0x0] =	wrdreg $0x60  }
0xae: {  	[dreg:$0x2] =	wrdreg s24  }
0xaf: {  	[dreg:$0x3] =	wrdreg $0x90000  }
0xb0: {  	[dreg:$0x4] =	wrdreg $0x9  }
0xb1: {  	_ =	task.clear_ibuf [dreg:s6], $0x5FFFF;
	_ =	strace $0x9000004C  }
0xb2: {  	s29 =	simm.s32 $0x9;
	_ =	strace $0x8000004E  }
0xb3: {  	_ =	swait.ge [sflag:s29], $0x1  }
0xb4: {  	[sflag:s29] =	ssyncadd.s32 $0xFFFFFFFF  }
0xb5: {  	_ =	strace $0x9000004E  }
0xb6: {  	_ =	sfence  }
0xb7: {  	s30 =	sld [smem:$0x0];
	_ =	sdelay $0x2  }
0xb8: {  	s31 =	sshll.u32 s1, $0xD;
	s1 =	sshrl.u32 s1, $0x2  }
0xb9: {  	s3 =	sand.u32 $0x4000, s31;
	s1 =	sadd.s32 s1, s30  }
0xba: {  	s0 =	sor.u32 s3, s0;
	s1 =	sshll.u32 s1, $0x11  }
0xbb: {  	s0 =	sor.u32 s1, s0  }
0xbc: {  	s0 =	sadd.s32 $0x8F2B, s0  }
0xbd: {  	[sflag:s0] =	ssyncadd.remote.s32 $0x1  }
0xbe: {  	_ =	sfence.sel $0xFFFF  }
0xbf: {  	[dreg:$0x0] =	wrdreg $0xFFFFFFFF;
	(pc) =	sbr.abs _section_cstart, $3  }
0xc0: {  	[dreg:$0x1] =	wrdreg $0xFFFFFFFF  }
0xc1: {  	_ =	task.clear_ibuf [dreg:s6], $0x2FFFF;
	_ =	strace $0x9FFFFFFF  }
0xc2: {  	(tm) =	ssettm $0x7FFFFFFF  }
0xc3: {  	_ =	shalt  }
tec
execute0_lowered:
.L_overlay_start_1:
0x0: {  	(tag) =	ssettag $0x1  }
0x1: {  	s5 =	rddreg [dreg:$0x0]  }
0x2: {  	s2 =	rddreg [dreg:$0x1];
	s3 =	srdreg.scid  }
0x3: {  	s0 =	rddreg [dreg:$0x2];
	s1 =	stileid.u32;
	s12 =	simm.s32 $0x2000  }
0x4: {  	s13 =	simm.s32 $0x50;
	s14 =	simm.s32 $0x4000;
	s15 =	simm.s32 $0x6800  }
0x5: {  	s16 =	simm.s32 $0x1;
	s17 =	simm.s32 $0x2;
	s18 =	simm.s32 $0x1F80  }
0x6: {  	s19 =	simm.s32 $0x3F00;
	s20 =	simm.s32 $0x3F80;
	s6 =	sand.u32 $0x1, s3  }
0x7: {  	s3 =	simm.s32 $0x0;
	s7 =	sshll.u32 s1, $0xB;
	s9 =	smul.u32 $0x50000, s1  }
0x8: {  	s23 =	smul.u32 $0x2800, s1;
	s31 =	sshll.u32 s1, $0x6;
	s4 =	sshll.u32 s6, $0xF  }
0x9: {  	[smem:$0x7FF] =	sst s3;
	s26 =	smul.u32 $0x28000, s6;
	s28 =	ssub.s32 $0x2, s6  }
0xa: {  	s4 =	sor.u32 s7, s4;
	_ =	strace $0x8000004D;
	s6 =	sshrl.u32 s28, $0x1  }
0xb: {  	s29 =	sshrl.u32 s9, $0x2;
	s8 =	sadd.s32 s4, s5;
	s4 =	sadd.s32 $0x53A00, s5  }
0xc: {  	s10 =	sadd.s32 s26, s5;
	s30 =	ssub.s32 s28, s6;
	s11 =	sadd.s32 s29, s2  }
0xd: {  	s6 =	sor.u32 $0x1C03, s31;
	s5 =	sadd.s32 s4, s23;
	s7 =	sadd.s32 $0x95A00, s8  }
0xe: {  	s8 =	sadd.s32 $0x85A00, s8;
	s24 =	sadd.s32 $0xA5A00, s10;
	s9 =	smax.u32 s30, $0x1  }
0xf: {  	s10 =	sshrl.u32 s11, $0x3;
	s11 =	simm.s32 $0x3;
	s21 =	sadd.s32 $0x400, s7  }
0x10: {  	s22 =	sadd.s32 $0x400, s8;
	s23 =	sadd.s32 s23, s24;
	s24 =	simm.s32 $0x0  }
.LBB2_1:
0x11: {  	[spmem:s10], [sflag:s6] =	dma.local [hbm:s5], $0x2800  }
0x12: {  	_ =	swait.ge [sflag:s11], $0x2800  }
0x13: {  	[sflag:s11] =	ssyncset.done $0x0  }
0x14: {  	[sflag:s11] =	ssyncadd.s32 $0xFFFFD800  }
0x15: {  	[bflag:$0x0] =	sbarrier.arrive $0xFFFF  }
0x16: {  	[tilespmem:s3], [sflag:$0x3] =	stream.linear.gather [hbm4b:s7+s3], $0x2000, $0x38;
	[tilespmem:$0x1D000] =	vst v63  }
0x17: {  	_ =	swait.ge [sflag:s11], $0x2000  }
0x18: {  	[sflag:s11] =	ssyncset.done $0x0  }
0x19: {  	[sflag:s11] =	ssyncadd.s32 $0xFFFFE000  }
0x1a: {  	[tilespmem:s12], [sflag:$0x3] =	stream.linear.gather [hbm4b:s8+s3], $0x2000, $0x38;
	[tilespmem:$0x1D000] =	vst v63  }
0x1b: {  	_ =	swait.ge [sflag:s11], $0x2000  }
0x1c: {  	[sflag:s11] =	ssyncset.done $0x0  }
0x1d: {  	[sflag:s11] =	ssyncadd.s32 $0xFFFFE000  }
0x1e: {  	[tilespmem:s14], [sflag:$0x1] =	stream.indirect.gather [hbm4b:s4+s13], $0x80, s3, s13, $0xb8;
	[tilespmem:$0x1D000] =	vst v63  }
0x1f: {  	s25 =	simm.s32 $0x80  }
0x20: {  	[tilespmem:s15], [sflag:$0x2] =	stream.indirect.gather [hbm4b:s4+s13], $0x80, s25, s13, $0xb8;
	[tilespmem:$0x1D000] =	vst v63  }
0x21: {  	_ =	swait.ge [sflag:s16], $0x2800  }
0x22: {  	[sflag:s16] =	ssyncset.done $0x0  }
0x23: {  	s29 =	simm.s32 $0x2000;
	[sflag:s16] =	ssyncadd.s32 $0xFFFFD800  }
0x24: {  	[spmem:s2] =	stream.indirect.scatter.add.f32 [tilespmem:s14], [sflag:$0x3], $0x80, s29, s13, $0xb8;
	[tilespmem:$0x1D000] =	vst v63  }
0x25: {  	_ =	swait.ge [sflag:s11], $0x2800  }
0x26: {  	[sflag:s11] =	ssyncset.done $0x0  }
0x27: {  	s30 =	simm.s32 $0x100;
	[sflag:s11] =	ssyncadd.s32 $0xFFFFD800  }
0x28: {  	[tilespmem:s14], [sflag:$0x1] =	stream.indirect.gather [hbm4b:s4+s13], $0x80, s30, s13, $0xb8;
	[tilespmem:$0x1D000] =	vst v63  }
0x29: {  	_ =	swait.ge [sflag:s17], $0x2800  }
0x2a: {  	[sflag:s17] =	ssyncset.done $0x0  }
0x2b: {  	s31 =	simm.s32 $0x2080;
	[sflag:s17] =	ssyncadd.s32 $0xFFFFD800  }
0x2c: {  	[spmem:s2] =	stream.indirect.scatter.add.f32 [tilespmem:s15], [sflag:$0x3], $0x80, s31, s13, $0xb8;
	[tilespmem:$0x1D000] =	vst v63  }
0x2d: {  	_ =	swait.ge [sflag:s11], $0x2800  }
0x2e: {  	s26 =	simm.s32 $0x800;
	s25 =	simm.s32 $0x100;
	[sflag:s11] =	ssyncset.done $0x0  }
.LBB2_2:
0x2f: {  	s28 =	sadd.s32 $0x80, s25  }
0x30: {  	[sflag:s11] =	ssyncadd.s32 $0xFFFFD800;
	s29 =	smov.u32 s26;
	s30 =	sadd.s32 $0x400, s26  }
0x31: {  	[tilespmem:s15], [sflag:$0x2] =	stream.indirect.gather [hbm4b:s4+s13], $0x80, s28, s13, $0xb8;
	[tilespmem:$0x1D000] =	vst v63  }
0x32: {  	p0 =	sne.s32 s26, $0x7800;
	_ =	swait.ge [sflag:s16], $0x2800  }
0x33: {  	[sflag:s16] =	ssyncset.done $0x0  }
0x34: {  	s26 =	sadd.s32 $0x2000, s25;
	[sflag:s16] =	ssyncadd.s32 $0xFFFFD800  }
0x35: {  	[spmem:s2] =	stream.indirect.scatter.add.f32 [tilespmem:s14], [sflag:$0x3], $0x80, s26, s13, $0xb8;
	[tilespmem:$0x1D000] =	vst v63  }
0x36: {  	_ =	swait.ge [sflag:s11], $0x2800  }
0x37: {  	[sflag:s11] =	ssyncset.done $0x0  }
0x38: {  	s26 =	sadd.s32 $0x100, s25;
	[sflag:s11] =	ssyncadd.s32 $0xFFFFD800  }
0x39: {  	[tilespmem:s14], [sflag:$0x1] =	stream.indirect.gather [hbm4b:s4+s13], $0x80, s26, s13, $0xb8;
	[tilespmem:$0x1D000] =	vst v63  }
0x3a: {  	_ =	swait.ge [sflag:s17], $0x2800  }
.Ltmp0:
0x3b: {  	[sflag:s17] =	ssyncset.done $0x0;
	(pc) =	sbr.rel @p0 .LBB2_2-.Ltmp0, $4  }
0x3c: {  	s25 =	sadd.s32 $0x2080, s25;
	[sflag:s17] =	ssyncadd.s32 $0xFFFFD800  }
0x3d: {  	[spmem:s2] =	stream.indirect.scatter.add.f32 [tilespmem:s15], [sflag:$0x3], $0x80, s25, s13, $0xb8;
	[tilespmem:$0x1D000] =	vst v63  }
0x3e: {  	_ =	swait.ge [sflag:s11], $0x2800  }
0x3f: {  	s26 =	smov.u32 s30;
	s25 =	sshra.s32 s29, $0x2;
	[sflag:s11] =	ssyncset.done $0x0  }
0x40: {  	s26 =	sadd.s32 $0x80, s25;
	[sflag:s11] =	ssyncadd.s32 $0xFFFFD800  }
0x41: {  	[tilespmem:s15], [sflag:$0x2] =	stream.indirect.gather [hbm4b:s4+s13], $0x80, s26, s13, $0xb8;
	[tilespmem:$0x1D000] =	vst v63  }
0x42: {  	_ =	swait.ge [sflag:s16], $0x2800  }
0x43: {  	[sflag:s16] =	ssyncset.done $0x0  }
0x44: {  	s29 =	sadd.s32 $0x2000, s25;
	[sflag:s16] =	ssyncadd.s32 $0xFFFFD800  }
0x45: {  	[spmem:s2] =	stream.indirect.scatter.add.f32 [tilespmem:s14], [sflag:$0x3], $0x80, s29, s13, $0xb8;
	[tilespmem:$0x1D000] =	vst v63  }
0x46: {  	_ =	swait.ge [sflag:s11], $0x2800  }
0x47: {  	[sflag:s11] =	ssyncset.done $0x0  }
0x48: {  	s30 =	sadd.s32 $0x100, s25;
	[sflag:s11] =	ssyncadd.s32 $0xFFFFD800  }
0x49: {  	[tilespmem:s14], [sflag:$0x1] =	stream.indirect.gather [hbm4b:s4+s13], $0x80, s30, s13, $0xb8;
	[tilespmem:$0x1D000] =	vst v63  }
0x4a: {  	_ =	swait.ge [sflag:s17], $0x2800  }
0x4b: {  	[sflag:s17] =	ssyncset.done $0x0  }
0x4c: {  	s31 =	sadd.s32 $0x2080, s25;
	[sflag:s17] =	ssyncadd.s32 $0xFFFFD800  }
0x4d: {  	[spmem:s2] =	stream.indirect.scatter.add.f32 [tilespmem:s15], [sflag:$0x3], $0x80, s31, s13, $0xb8;
	[tilespmem:$0x1D000] =	vst v63  }
0x4e: {  	_ =	swait.ge [sflag:s11], $0x2800  }
0x4f: {  	[sflag:s11] =	ssyncset.done $0x0  }
0x50: {  	[sflag:s11] =	ssyncadd.s32 $0xFFFFD800  }
0x51: {  	[tilespmem:s15], [sflag:$0x2] =	stream.indirect.gather [hbm4b:s4+s13], $0x80, s18, s13, $0xb8;
	[tilespmem:$0x1D000] =	vst v63  }
0x52: {  	_ =	swait.ge [sflag:s16], $0x2800  }
0x53: {  	[sflag:s16] =	ssyncset.done $0x0  }
0x54: {  	[sflag:s16] =	ssyncadd.s32 $0xFFFFD800  }
0x55: {  	[spmem:s2] =	stream.indirect.scatter.add.f32 [tilespmem:s14], [sflag:$0x3], $0x80, s19, s13, $0xb8;
	[tilespmem:$0x1D000] =	vst v63  }
0x56: {  	_ =	swait.ge [sflag:s11], $0x2800  }
0x57: {  	[sflag:s11] =	ssyncset.done $0x0  }
0x58: {  	[sflag:s11] =	ssyncadd.s32 $0xFFFFD800  }
0x59: {  	_ =	swait.ge [sflag:s17], $0x2800  }
0x5a: {  	[sflag:s17] =	ssyncset.done $0x0  }
0x5b: {  	[sflag:s17] =	ssyncadd.s32 $0xFFFFD800  }
0x5c: {  	[spmem:s2] =	stream.indirect.scatter.add.f32 [tilespmem:s15], [sflag:$0x3], $0x80, s20, s13, $0xb8;
	[tilespmem:$0x1D000] =	vst v63  }
0x5d: {  	_ =	swait.ge [sflag:s11], $0x2800  }
0x5e: {  	[sflag:s11] =	ssyncset.done $0x0  }
0x5f: {  	s26 =	simm.s32 $0x0;
	[sflag:s11] =	ssyncadd.s32 $0xFFFFD800  }
0x60: {  	[tilespmem:s26], [sflag:$0x3] =	stream.linear.gather [hbm4b:s21+s26], $0x2000, $0x38;
	[tilespmem:$0x1D000] =	vst v63  }
0x61: {  	_ =	swait.ge [sflag:s11], $0x2000  }
0x62: {  	[sflag:s11] =	ssyncset.done $0x0  }
0x63: {  	[sflag:s11] =	ssyncadd.s32 $0xFFFFE000  }
0x64: {  	[tilespmem:s12], [sflag:$0x3] =	stream.linear.gather [hbm4b:s22+s26], $0x2000, $0x38;
	[tilespmem:$0x1D000] =	vst v63  }
0x65: {  	_ =	swait.ge [sflag:s11], $0x2000  }
0x66: {  	[sflag:s11] =	ssyncset.done $0x0  }
0x67: {  	[sflag:s11] =	ssyncadd.s32 $0xFFFFE000  }
0x68: {  	[tilespmem:s14], [sflag:$0x1] =	stream.indirect.gather [hbm4b:s4+s13], $0x80, s26, s13, $0xb8;
	[tilespmem:$0x1D000] =	vst v63  }
0x69: {  	s28 =	simm.s32 $0x80  }
0x6a: {  	[tilespmem:s15], [sflag:$0x2] =	stream.indirect.gather [hbm4b:s4+s13], $0x80, s28, s13, $0xb8;
	[tilespmem:$0x1D000] =	vst v63  }
0x6b: {  	_ =	swait.ge [sflag:s16], $0x2800  }
0x6c: {  	[sflag:s16] =	ssyncset.done $0x0  }
0x6d: {  	s29 =	simm.s32 $0x2000;
	[sflag:s16] =	ssyncadd.s32 $0xFFFFD800  }
0x6e: {  	[spmem:s2] =	stream.indirect.scatter.add.f32 [tilespmem:s14], [sflag:$0x3], $0x80, s29, s13, $0xb8;
	[tilespmem:$0x1D000] =	vst v63  }
0x6f: {  	_ =	swait.ge [sflag:s11], $0x2800  }
0x70: {  	[sflag:s11] =	ssyncset.done $0x0  }
0x71: {  	s30 =	simm.s32 $0x100;
	[sflag:s11] =	ssyncadd.s32 $0xFFFFD800  }
0x72: {  	[tilespmem:s14], [sflag:$0x1] =	stream.indirect.gather [hbm4b:s4+s13], $0x80, s30, s13, $0xb8;
	[tilespmem:$0x1D000] =	vst v63  }
0x73: {  	_ =	swait.ge [sflag:s17], $0x2800  }
0x74: {  	[sflag:s17] =	ssyncset.done $0x0  }
0x75: {  	s31 =	simm.s32 $0x2080;
	[sflag:s17] =	ssyncadd.s32 $0xFFFFD800  }
0x76: {  	[spmem:s2] =	stream.indirect.scatter.add.f32 [tilespmem:s15], [sflag:$0x3], $0x80, s31, s13, $0xb8;
	[tilespmem:$0x1D000] =	vst v63  }
0x77: {  	_ =	swait.ge [sflag:s11], $0x2800  }
0x78: {  	s25 =	simm.s32 $0x100;
	s26 =	simm.s32 $0x800;
	[sflag:s11] =	ssyncset.done $0x0  }
.LBB2_4:
0x79: {  	s28 =	sadd.s32 $0x80, s25  }
0x7a: {  	[sflag:s11] =	ssyncadd.s32 $0xFFFFD800;
	s29 =	smov.u32 s26;
	s30 =	sadd.s32 $0x400, s26  }
0x7b: {  	[tilespmem:s15], [sflag:$0x2] =	stream.indirect.gather [hbm4b:s4+s13], $0x80, s28, s13, $0xb8;
	[tilespmem:$0x1D000] =	vst v63  }
0x7c: {  	p0 =	sne.s32 s26, $0x7800;
	_ =	swait.ge [sflag:s16], $0x2800  }
0x7d: {  	[sflag:s16] =	ssyncset.done $0x0  }
0x7e: {  	s26 =	sadd.s32 $0x2000, s25;
	[sflag:s16] =	ssyncadd.s32 $0xFFFFD800  }
0x7f: {  	[spmem:s2] =	stream.indirect.scatter.add.f32 [tilespmem:s14], [sflag:$0x3], $0x80, s26, s13, $0xb8;
	[tilespmem:$0x1D000] =	vst v63  }
0x80: {  	_ =	swait.ge [sflag:s11], $0x2800  }
0x81: {  	[sflag:s11] =	ssyncset.done $0x0  }
0x82: {  	s26 =	sadd.s32 $0x100, s25;
	[sflag:s11] =	ssyncadd.s32 $0xFFFFD800  }
0x83: {  	[tilespmem:s14], [sflag:$0x1] =	stream.indirect.gather [hbm4b:s4+s13], $0x80, s26, s13, $0xb8;
	[tilespmem:$0x1D000] =	vst v63  }
0x84: {  	_ =	swait.ge [sflag:s17], $0x2800  }
.Ltmp1:
0x85: {  	[sflag:s17] =	ssyncset.done $0x0;
	(pc) =	sbr.rel @p0 .LBB2_4-.Ltmp1, $4  }
0x86: {  	s25 =	sadd.s32 $0x2080, s25;
	[sflag:s17] =	ssyncadd.s32 $0xFFFFD800  }
0x87: {  	[spmem:s2] =	stream.indirect.scatter.add.f32 [tilespmem:s15], [sflag:$0x3], $0x80, s25, s13, $0xb8;
	[tilespmem:$0x1D000] =	vst v63  }
0x88: {  	_ =	swait.ge [sflag:s11], $0x2800  }
0x89: {  	s26 =	smov.u32 s30;
	s25 =	sshra.s32 s29, $0x2;
	[sflag:s11] =	ssyncset.done $0x0  }
0x8a: {  	s26 =	sadd.s32 $0x80, s25;
	[sflag:s11] =	ssyncadd.s32 $0xFFFFD800  }
0x8b: {  	[tilespmem:s15], [sflag:$0x2] =	stream.indirect.gather [hbm4b:s4+s13], $0x80, s26, s13, $0xb8;
	[tilespmem:$0x1D000] =	vst v63  }
0x8c: {  	_ =	swait.ge [sflag:s16], $0x2800  }
0x8d: {  	[sflag:s16] =	ssyncset.done $0x0  }
0x8e: {  	s29 =	sadd.s32 $0x2000, s25;
	[sflag:s16] =	ssyncadd.s32 $0xFFFFD800  }
0x8f: {  	[spmem:s2] =	stream.indirect.scatter.add.f32 [tilespmem:s14], [sflag:$0x3], $0x80, s29, s13, $0xb8;
	[tilespmem:$0x1D000] =	vst v63  }
0x90: {  	_ =	swait.ge [sflag:s11], $0x2800  }
0x91: {  	[sflag:s11] =	ssyncset.done $0x0  }
0x92: {  	s30 =	sadd.s32 $0x100, s25;
	[sflag:s11] =	ssyncadd.s32 $0xFFFFD800  }
0x93: {  	[tilespmem:s14], [sflag:$0x1] =	stream.indirect.gather [hbm4b:s4+s13], $0x80, s30, s13, $0xb8;
	[tilespmem:$0x1D000] =	vst v63  }
0x94: {  	_ =	swait.ge [sflag:s17], $0x2800  }
0x95: {  	[sflag:s17] =	ssyncset.done $0x0  }
0x96: {  	s31 =	sadd.s32 $0x2080, s25;
	[sflag:s17] =	ssyncadd.s32 $0xFFFFD800  }
0x97: {  	[spmem:s2] =	stream.indirect.scatter.add.f32 [tilespmem:s15], [sflag:$0x3], $0x80, s31, s13, $0xb8;
	[tilespmem:$0x1D000] =	vst v63  }
0x98: {  	_ =	swait.ge [sflag:s11], $0x2800  }
0x99: {  	[sflag:s11] =	ssyncset.done $0x0  }
0x9a: {  	[sflag:s11] =	ssyncadd.s32 $0xFFFFD800  }
0x9b: {  	[tilespmem:s15], [sflag:$0x2] =	stream.indirect.gather [hbm4b:s4+s13], $0x80, s18, s13, $0xb8;
	[tilespmem:$0x1D000] =	vst v63  }
0x9c: {  	_ =	swait.ge [sflag:s16], $0x2800  }
0x9d: {  	[sflag:s16] =	ssyncset.done $0x0  }
0x9e: {  	[sflag:s16] =	ssyncadd.s32 $0xFFFFD800  }
0x9f: {  	[spmem:s2] =	stream.indirect.scatter.add.f32 [tilespmem:s14], [sflag:$0x3], $0x80, s19, s13, $0xb8;
	[tilespmem:$0x1D000] =	vst v63  }
0xa0: {  	_ =	swait.ge [sflag:s11], $0x2800  }
0xa1: {  	[sflag:s11] =	ssyncset.done $0x0  }
0xa2: {  	[sflag:s11] =	ssyncadd.s32 $0xFFFFD800  }
0xa3: {  	_ =	swait.ge [sflag:s17], $0x2800  }
0xa4: {  	[sflag:s17] =	ssyncset.done $0x0  }
0xa5: {  	[sflag:s17] =	ssyncadd.s32 $0xFFFFD800  }
0xa6: {  	[spmem:s2] =	stream.indirect.scatter.add.f32 [tilespmem:s15], [sflag:$0x3], $0x80, s20, s13, $0xb8;
	[tilespmem:$0x1D000] =	vst v63  }
0xa7: {  	_ =	swait.ge [sflag:s11], $0x2800  }
0xa8: {  	s24 =	sadd.s32 $0x1, s24;
	[sflag:s11] =	ssyncset.done $0x0  }
0xa9: {  	p0 =	sne.s32 s24, s9;
	[sflag:s11] =	ssyncadd.s32 $0xFFFFD800  }
.Ltmp2:
0xaa: {  	[bflag:$0x0] =	sbarrier.arrive $0xFFFF;
	(pc) =	sbr.rel @p0 .LBB2_1-.Ltmp2, $4  }
0xab: {  	[hbm:s23], [sflag:s6] =	dma.local [spmem:s10], $0x2800  }
0xac: {  	_ =	swait.ge [sflag:s11], $0x2800  }
0xad: {  	[sflag:s11] =	ssyncset.done $0x0  }
0xae: {  	[sflag:s11] =	ssyncadd.s32 $0xFFFFD800  }
0xaf: {  	_ =	sfence.sel $0x180000  }
0xb0: {  	[bflag:$0x0] =	sbarrier.arrive $0xFFFF  }
0xb1: {  	p0 =	sne.s32 s1, $0x0;
	_ =	strace $0x9000004D  }
0xb2: {  	s0 =	sadd.s32 @!p0 $0x100000, s0;
	[bflag:$0x2] =	sbarrier.arrive $0xFFFF  }
0xb3: {  	[sflag:s0] =	ssyncadd.tile.s32 @!p0 $0x1;
	_ =	shalt  }
.Lfunc_end2:
_tile_overlayer_lowered:
.L_overlay_start_2:
0xb4: {  	(tag) =	ssettag $0x2  }
0xb5: {  	s0 =	rddreg [dreg:$0x0];
	s2 =	stileid.u32  }
0xb6: {  	s1 =	rddreg [dreg:$0x1];
	p0 =	sne.s32 s2, $0x0  }
0xb7: {  	s3 =	rddreg [dreg:$0x2];
	[bflag:$0x3] =	sbarrier.arrive $0xFFFF;
	s2 =	simm.s32 @!p0 $0x1C03  }
0xb8: {  	[timem:s3], [sflag:s2] =	dma.local @!p0 [hbm:s0], s1  }
0xb9: {  	s0 =	simm.s32 @!p0 $0x3  }
0xba: {  	_ =	swait.ge @!p0 [sflag:s0], s1  }
0xbb: {  	s1 =	ssub.s32 @!p0 $0x0, s1;
	[sflag:s0] =	ssyncset.done @!p0 $0x0  }
0xbc: {  	[sflag:s0] =	ssyncadd.s32 @!p0 s1  }
0xbd: {  	[bflag:$0x3] =	sbarrier.arrive $0xFFFF  }
0xbe: {  	_ =	shalt  }

// kernel: kernel.8.cloned.1.call-start
scs
__scs_entry_jumppad:
0x0: {  	(pc) =	sbr.rel $0x88, $3  }
0x1: {  	(tag) =	ssettag $0x0;
	lr =	simm.s32 $0x1  }
0x2: {  	[smem:$0x3F99] =	sst lr;
	_ =	strace $0xD0000000  }
0x3: {  	_ = 	snop  }
0x4: {  	_ = 	snop  }
0x5: {  	_ = 	snop  }
0x6: {  	_ = 	snop  }
0x7: {  	_ = 	snop  }
__scs_overlays_trampoline_lowered:
0x8: {  	[smem:$0x3FA8] =	sst s0  }
0x9: {  	[smem:$0x3FA9] =	sst s1  }
0xa: {  	[smem:$0x3FAA] =	sst s2  }
0xb: {  	[smem:$0x3FAB] =	sst s3  }
0xc: {  	[smem:$0x3FAC] =	sst s4  }
0xd: {  	[smem:$0x3FAD] =	sst s5  }
0xe: {  	[smem:$0x3FAE] =	sst s6  }
0xf: {  	[smem:$0x3FAF] =	sst s7  }
0x10: {  	[smem:$0x3FB0] =	sst s8  }
0x11: {  	[smem:$0x3FB1] =	sst s9;
	s0 =	simm.s32 @!p0 $0x0  }
0x12: {  	s1 =	sld [smem:$0x3F97];
	s0 =	simm.s32 @p0 $0x1  }
0x13: {  	[smem:$0x3FB2] =	sst s0;
	s0 =	simm.s32 @!p1 $0x0  }
0x14: {  	s2 =	sld [smem:$0x3F96];
	s0 =	simm.s32 @p1 $0x1  }
0x15: {  	[smem:$0x3FB3] =	sst s0;
	s0 =	simm.s32 @!p2 $0x0  }
0x16: {  	s3 =	sld [smem:$0x3FDB];
	s0 =	simm.s32 @p2 $0x1  }
0x17: {  	s4 =	simm.s32 $0x1BF5;
	[smem:$0x3FB5] =	sst s0  }
0x18: {  	s0 =	sld [smem:$0x3F98];
	_ =	swait.ge [sflag:s4], $0x0  }
0x19: {  	s7 =	sld [smem:$0x3F99]  }
0x1a: {  	s8 =	sadd.s32 $0xFFFFE003, lr  }
0x1b: {  	s9 =	sadd.s32 $0xFFFFFEF7, lr;
	s5 =	simm.s32 $0xFFFFFFFF;
	p2 =	slt.u32 s8, $0xFFFFF086  }
0x1c: {  	p1 =	slt.u32 s9, $0xF7A;
	s5 =	simm.s32 @!p2 $0x0  }
0x1d: {  	s5 =	simm.s32 @p1 $0x1;
	p0 =	seq.s32 s7, s2  }
0x1e: {  	s7 =	smul.u32 @!p0 $0xF7A, s2;
	p2 =	seq.s32 @!p0 s5, $0x0  }
0x1f: {  	s9 =	smul.u32 $0xF7A, s1;
	s8 =	simm.s32 @!p0 $0x1BF5;
	p2 =	por !p2, p0  }
0x20: {  	[sflag:s8] =	ssyncset.s32 @!p0 $0xFFFFF086;
	s6 =	sadd.s32 @!p0 s3, s7;
	s7 =	simm.s32 @!p0 $0x108  }
0x21: {  	s3 =	sadd.s32 s3, s9;
	s6 =	sadd.s32 @!p0 $0x88, s6;
	s7 =	simm.s32 @p2 $0x1082  }
0x22: {  	[simem:s7], [sflag:s8] =	dma.local @!p0 [hbm:s6], $0xF7A  }
0x23: {  	s9 =	sor.u32 $0xD0000000, s2;
	s6 =	simm.s32 $0x108;
	_ =	swait.ge @!p0 [sflag:s8], $0x0  }
0x24: {  	s3 =	sadd.s32 $0x88, s3;
	s6 =	simm.s32 @!p1 $0x1082;
	[sflag:s4] =	ssyncset.s32 $0xFFFFF086  }
0x25: {  	[simem:s6], [sflag:s4] =	dma.local [hbm:s3], $0xF7A  }
0x26: {  	[smem:$0x3F99] =	sst s1;
	(tag) =	ssettag s2;
	_ =	strace s9  }
0x27: {  	s1 =	sld [smem:$0x3FA9]  }
0x28: {  	s2 =	sld [smem:$0x3FAA]  }
0x29: {  	s4 =	sld [smem:$0x3FAC]  }
0x2a: {  	p0 =	seq.s32 s5, $0x0;
	s5 =	sld [smem:$0x3FAD]  }
0x2b: {  	s6 =	sld [smem:$0x3FAE]  }
0x2c: {  	s7 =	sld [smem:$0x3FAF]  }
0x2d: {  	s3 =	simm.s32 $0x108;
	s8 =	sld [smem:$0x3FB0]  }
0x2e: {  	s3 =	simm.s32 @!p0 $0x1082;
	s9 =	sld [smem:$0x3FB1]  }
0x2f: {  	lr =	sadd.s32 s0, s3;
	s0 =	sld [smem:$0x3FA8]  }
0x30: {  	s3 =	sld [smem:$0x3FAB]  }
0x31: {  	[smem:$0x3FB4] =	sst s10  }
0x32: {  	s10 =	sld [smem:$0x3FB2];
	_ =	sdelay $0x3  }
0x33: {  	p0 =	seq.s32 s10, $0x1;
	s10 =	sld [smem:$0x3FB4];
	_ =	sdelay $0x3  }
0x34: {  	[smem:$0x3FB4] =	sst s10  }
0x35: {  	s10 =	sld [smem:$0x3FB3];
	_ =	sdelay $0x3  }
0x36: {  	p1 =	seq.s32 s10, $0x1;
	s10 =	sld [smem:$0x3FB4];
	_ =	sdelay $0x3  }
0x37: {  	[smem:$0x3FB4] =	sst s10  }
0x38: {  	s10 =	sld [smem:$0x3FB5]  }
0x39: {  	_ = 	snop;
	(pc) =	sbr.ind lr, $3  }
0x3a: {  	_ = 	snop  }
0x3b: {  	_ = 	snop  }
0x3c: {  	p2 =	seq.s32 s10, $0x1;
	s10 =	sld [smem:$0x3FB4]  }
0x3d: {  	_ =	shalt  }
0x3e: {  	_ =	shalt  }
0x3f: {  	_ =	shalt  }
0x40: {  	_ =	shalt  }
0x41: {  	_ =	shalt  }
0x42: {  	_ =	shalt  }
0x43: {  	_ =	shalt  }
0x44: {  	_ =	shalt  }
0x45: {  	_ =	shalt  }
0x46: {  	_ =	shalt  }
0x47: {  	_ =	shalt  }
0x48: {  	_ =	shalt  }
0x49: {  	_ =	shalt  }
0x4a: {  	_ =	shalt  }
0x4b: {  	_ =	shalt  }
0x4c: {  	_ =	shalt  }
0x4d: {  	_ =	shalt  }
0x4e: {  	_ =	shalt  }
0x4f: {  	_ =	shalt  }
0x50: {  	_ =	shalt  }
0x51: {  	_ =	shalt  }
0x52: {  	_ =	shalt  }
0x53: {  	_ =	shalt  }
0x54: {  	_ =	shalt  }
0x55: {  	_ =	shalt  }
0x56: {  	_ =	shalt  }
0x57: {  	_ =	shalt  }
0x58: {  	_ =	shalt  }
0x59: {  	_ =	shalt  }
0x5a: {  	_ =	shalt  }
0x5b: {  	_ =	shalt  }
0x5c: {  	_ =	shalt  }
0x5d: {  	_ =	shalt  }
0x5e: {  	_ =	shalt  }
0x5f: {  	_ =	shalt  }
0x60: {  	_ =	shalt  }
0x61: {  	_ =	shalt  }
0x62: {  	_ =	shalt  }
0x63: {  	_ =	shalt  }
0x64: {  	_ =	shalt  }
0x65: {  	_ =	shalt  }
0x66: {  	_ =	shalt  }
0x67: {  	_ =	shalt  }
0x68: {  	_ =	shalt  }
0x69: {  	_ =	shalt  }
0x6a: {  	_ =	shalt  }
0x6b: {  	_ =	shalt  }
0x6c: {  	_ =	shalt  }
0x6d: {  	_ =	shalt  }
0x6e: {  	_ =	shalt  }
0x6f: {  	_ =	shalt  }
0x70: {  	_ =	shalt  }
0x71: {  	_ =	shalt  }
0x72: {  	_ =	shalt  }
0x73: {  	_ =	shalt  }
0x74: {  	_ =	shalt  }
0x75: {  	_ =	shalt  }
0x76: {  	_ =	shalt  }
0x77: {  	_ =	shalt  }
0x78: {  	_ =	shalt  }
0x79: {  	_ =	shalt  }
0x7a: {  	_ =	shalt  }
0x7b: {  	_ =	shalt  }
0x7c: {  	_ =	shalt  }
0x7d: {  	_ =	shalt  }
0x7e: {  	_ =	shalt  }
0x7f: {  	_ =	shalt  }
0x80: {  	_ =	shalt  }
0x81: {  	_ =	shalt  }
0x82: {  	_ =	shalt  }
0x83: {  	_ =	shalt  }
0x84: {  	_ =	shalt  }
0x85: {  	_ =	shalt  }
0x86: {  	_ =	shalt  }
0x87: {  	_ =	shalt  }
.Lfunc_end0:
.L_simem_size_0:
called_computation_lowered:
.L_overlay_start_0:
0x88: {  	s2 =	sld [smem:$0x3FD9]  }
0x89: {  	s3 =	sld [smem:$0x3FFE];
	_ =	sdelay $0x1  }
0x8a: {  	s1 =	srdreg.scid  }
0x8b: {  	s0 =	sand.u32 $0x1, s1  }
0x8c: {  	s16 =	sshll.u32 s0, $0xA;
	s2 =	sadd.s32 s3, s2  }
0x8d: {  	s2 =	sadd.s32 s2, s16  }
0x8e: {  	[smem:$0x3FC0] =	sst s2  }
0x8f: {  	_ = 	snop  }
0x90: {  	(tm) =	ssettm $0x1  }
0x91: {  	s17 =	sld [smem:$0x3FFB];
	_ =	sdelay $0x3  }
0x92: {  	_ =	strace s17  }
0x93: {  	s2 =	sld [smem:$0x3FFC];
	_ =	sdelay $0x3  }
0x94: {  	_ =	strace s2  }
0x95: {  	s2 =	sld [smem:$0x3FFD];
	_ =	sdelay $0x3  }
0x96: {  	_ =	strace s2  }
0x97: {  	_ =	strace $0x8FFFFFFF  }
0x98: {  	s18 =	sld [smem:$0x3FDB];
	_ =	sdelay $0x1  }
0x99: {  	s19 =	simm.s32 $_scs_section_size  }
0x9a: {  	s4 =	simm.s32 $_size__tile_overlayer_lowered;
	s5 =	simm.s32 $_tile_overlayer_lowered  }
0x9b: {  	s22 =	simm.s32 $0x1BFF;
	s21 =	sshll.u32 s5, $0x1;
	s2 =	sadd.s32 s19, s18  }
0x9c: {  	s6 =	simm.s32 $0x0;
	s20 =	sshll.u32 s4, $0x1;
	s4 =	sadd.s32 s21, s2  }
0x9d: {  	[timem:s6], [sflag:s22] =	dma.local [hbm:s4], s20  }
0x9e: {  	_ =	swait.ge [sflag:s22], s20  }
0x9f: {  	s3 =	ssub.s32 $0x0, s20;
	[sflag:s22] =	ssyncset.done $0x0  }
0xa0: {  	[sflag:s22] =	ssyncadd.s32 s3;
	_ =	sdelay $0x1  }
0xa1: {  	s23 =	simm.s32 $0x1B8B  }
0xa2: {  	_ =	swait.ge [sflag:s23], $0x1  }
0xa3: {  	[sflag:s23] =	ssyncset.done $0x0  }
0xa4: {  	s25 =	simm.s32 $0x1B8E;
	s24 =	sld [smem:$0x3FFE];
	[sflag:s23] =	ssyncadd.s32 $0xFFFFFFFF  }
0xa5: {  	s26 =	simm.s32 $execute0_lowered;
	[smem:$0x3FD2] =	sst s25  }
0xa6: {  	s4 =	sshll.u32 s26, $0x1;
	_ =	strace $0x80000046;
	[dreg:$0x1] =	wrdreg $0xFFFFFFFF  }
0xa7: {  	s28 =	simm.s32 $_size_execute0_lowered;
	s2 =	sadd.s32 s2, s4;
	[dreg:$0x0] =	wrdreg $0x0  }
0xa8: {  	s4 =	sshll.u32 s28, $0x1;
	[dreg:$0x2] =	wrdreg s2  }
0xa9: {  	[dreg:$0x3] =	wrdreg s4  }
0xaa: {  	[dreg:$0x4] =	wrdreg $0xC0  }
0xab: {  	_ =	task [dreg:s6], $0x5FFFF  }
0xac: {  	[dreg:$0x1] =	wrdreg $0xFFFFFFFF  }
0xad: {  	[dreg:$0x0] =	wrdreg $0x60  }
0xae: {  	[dreg:$0x2] =	wrdreg s24  }
0xaf: {  	[dreg:$0x3] =	wrdreg $0x68000  }
0xb0: {  	[dreg:$0x4] =	wrdreg $0x9  }
0xb1: {  	_ =	task.clear_ibuf [dreg:s6], $0x5FFFF;
	_ =	strace $0x90000046  }
0xb2: {  	s29 =	simm.s32 $0x9;
	_ =	strace $0x80000048  }
0xb3: {  	_ =	swait.ge [sflag:s29], $0x1  }
0xb4: {  	[sflag:s29] =	ssyncadd.s32 $0xFFFFFFFF  }
0xb5: {  	_ =	strace $0x90000048  }
0xb6: {  	_ =	sfence  }
0xb7: {  	s30 =	sld [smem:$0x0];
	_ =	sdelay $0x2  }
0xb8: {  	s31 =	sshll.u32 s1, $0xD;
	s1 =	sshrl.u32 s1, $0x2  }
0xb9: {  	s3 =	sand.u32 $0x4000, s31;
	s1 =	sadd.s32 s1, s30  }
0xba: {  	s0 =	sor.u32 s3, s0;
	s1 =	sshll.u32 s1, $0x11  }
0xbb: {  	s0 =	sor.u32 s1, s0  }
0xbc: {  	s0 =	sadd.s32 $0x8F2B, s0  }
0xbd: {  	[sflag:s0] =	ssyncadd.remote.s32 $0x1  }
0xbe: {  	_ =	sfence.sel $0xFFFF  }
0xbf: {  	[dreg:$0x0] =	wrdreg $0xFFFFFFFF;
	(pc) =	sbr.abs _section_cstart, $3  }
0xc0: {  	[dreg:$0x1] =	wrdreg $0xFFFFFFFF  }
0xc1: {  	_ =	task.clear_ibuf [dreg:s6], $0x2FFFF;
	_ =	strace $0x9FFFFFFF  }
0xc2: {  	(tm) =	ssettm $0x7FFFFFFF  }
0xc3: {  	_ =	shalt  }
tec
execute0_lowered:
.L_overlay_start_1:
0x0: {  	(tag) =	ssettag $0x1  }
0x1: {  	s0 =	srdreg.scid;
	s5 =	rddreg [dreg:$0x0]  }
0x2: {  	s2 =	rddreg [dreg:$0x1];
	s1 =	stileid.u32  }
0x3: {  	s3 =	simm.s32 $0x0;
	s4 =	sand.u32 $0x1, s0;
	s0 =	rddreg [dreg:$0x2]  }
0x4: {  	s11 =	simm.s32 $0x80;
	[smem:$0x7FF] =	sst s3;
	s9 =	smul.u32 $0x50000, s1  }
0x5: {  	s31 =	sshll.u32 s1, $0x6;
	s13 =	smul.u32 $0x2800, s1;
	s6 =	sshll.u32 s4, $0x4  }
0x6: {  	_ =	strace $0x80000047;
	s7 =	smul.u32 $0x28000, s4;
	s8 =	ssub.s32 $0x2, s4  }
0x7: {  	s4 =	sadd.s32 $0xDA00, s5;
	s6 =	sor.u32 s1, s6;
	s29 =	sshrl.u32 s8, $0x1  }
0x8: {  	s30 =	sshrl.u32 s9, $0x2;
	s9 =	simm.s32 $0x1;
	s6 =	smul.u32 $0x500, s6  }
0x9: {  	s7 =	sadd.s32 s7, s5;
	s8 =	ssub.s32 s8, s29;
	s10 =	sadd.s32 s30, s2  }
0xa: {  	s12 =	sadd.s32 $0x35A00, s7;
	s7 =	smax.u32 s8, $0x1;
	s8 =	sshrl.u32 s10, $0x3  }
0xb: {  	s10 =	simm.s32 $0x2800;
	s6 =	sadd.s32 s6, s5;
	s5 =	sor.u32 $0x1C01, s31  }
0xc: {  	s12 =	sadd.s32 s13, s12;
	s13 =	simm.s32 $0x0;
	s6 =	sadd.s32 $0x3A00, s6  }
.LBB2_1:
0xd: {  	[spmem:s8], [sflag:s5] =	dma.local [hbm:s4], $0x2800  }
0xe: {  	_ =	swait.ge [sflag:s9], $0x2800  }
0xf: {  	[sflag:s9] =	ssyncset.done $0x0  }
0x10: {  	[sflag:s9] =	ssyncadd.s32 $0xFFFFD800  }
0x11: {  	[tilespmem:s10], [sflag:$0x1] =	stream.linear.gather [hbm4b:s4+s3], $0x4000, $0x38;
	[tilespmem:$0x7C00] =	vst v63  }
0x12: {  	_ =	swait.ge [sflag:s9], $0x4000  }
0x13: {  	[sflag:s9] =	ssyncset.done $0x0  }
0x14: {  	[sflag:s9] =	ssyncadd.s32 $0xFFFFC000  }
0x15: {  	[tilespmem:s3], [sflag:$0x1] =	stream.linear.gather [hbm4b:s6+s3], $0x2800, $0x38;
	[tilespmem:$0x7C00] =	vst v63  }
0x16: {  	_ =	swait.ge [sflag:s9], $0x2800  }
0x17: {  	[sflag:s9] =	ssyncset.done $0x0  }
0x18: {  	[sflag:s9] =	ssyncadd.s32 $0xFFFFD800  }
0x19: {  	s14 =	simm.s32 $0x0;
	[bflag:$0x0] =	sbarrier.arrive $0xFFFF  }
0x1a: {  	[spmem:s2] =	stream.indirect.scatter.add.f32 [tilespmem:s10], [sflag:$0x1], $0x8, s14, s11, $0xb8;
	[tilespmem:$0x7C00] =	vst v63  }
0x1b: {  	_ =	swait.ge [sflag:s9], $0x400  }
0x1c: {  	s14 =	simm.s32 $0x200;
	[sflag:s9] =	ssyncset.done $0x0  }
.LBB2_2:
0x1d: {  	s15 =	sshra.s32 s14, $0x2;
	[sflag:s9] =	ssyncadd.s32 $0xFFFFFC00;
	p0 =	sne.s32 s14, $0x9E00  }
0x1e: {  	[spmem:s2] =	stream.indirect.scatter.add.f32 [tilespmem:s10], [sflag:$0x1], $0x8, s15, s11, $0xb8;
	[tilespmem:$0x7C00] =	vst v63  }
.Ltmp0:
0x1f: {  	_ = 	snop;
	(pc) =	sbr.rel @p0 .LBB2_2-.Ltmp0, $4  }
0x20: {  	_ = 	snop  }
0x21: {  	s14 =	sadd.s32 $0x200, s14  }
0x22: {  	_ =	swait.ge [sflag:s9], $0x400  }
0x23: {  	[sflag:s9] =	ssyncset.done $0x0  }
0x24: {  	s13 =	sadd.s32 $0x1, s13  }
0x25: {  	[sflag:s9] =	ssyncadd.s32 $0xFFFFFC00;
	p0 =	sne.s32 s13, s7  }
.Ltmp1:
0x26: {  	[bflag:$0x0] =	sbarrier.arrive $0xFFFF;
	(pc) =	sbr.rel @p0 .LBB2_1-.Ltmp1, $4  }
0x27: {  	[hbm:s12], [sflag:s5] =	dma.local [spmem:s8], $0x2800  }
0x28: {  	_ =	swait.ge [sflag:s9], $0x2800  }
0x29: {  	[sflag:s9] =	ssyncset.done $0x0  }
0x2a: {  	[sflag:s9] =	ssyncadd.s32 $0xFFFFD800  }
0x2b: {  	_ =	sfence.sel $0x180000  }
0x2c: {  	[bflag:$0x0] =	sbarrier.arrive $0xFFFF  }
0x2d: {  	p0 =	sne.s32 s1, $0x0;
	_ =	strace $0x90000047  }
0x2e: {  	s0 =	sadd.s32 @!p0 $0x100000, s0;
	[bflag:$0x2] =	sbarrier.arrive $0xFFFF  }
0x2f: {  	[sflag:s0] =	ssyncadd.tile.s32 @!p0 $0x1;
	_ =	shalt  }
.Lfunc_end2:
_tile_overlayer_lowered:
.L_overlay_start_2:
0x30: {  	(tag) =	ssettag $0x2  }
0x31: {  	s0 =	rddreg [dreg:$0x0];
	s2 =	stileid.u32  }
0x32: {  	s1 =	rddreg [dreg:$0x1];
	p0 =	sne.s32 s2, $0x0  }
0x33: {  	s3 =	rddreg [dreg:$0x2];
	[bflag:$0x3] =	sbarrier.arrive $0xFFFF;
	s2 =	simm.s32 @!p0 $0x1C01  }
0x34: {  	[timem:s3], [sflag:s2] =	dma.local @!p0 [hbm:s0], s1  }
0x35: {  	s0 =	simm.s32 @!p0 $0x1  }
0x36: {  	_ =	swait.ge @!p0 [sflag:s0], s1  }
0x37: {  	s1 =	ssub.s32 @!p0 $0x0, s1;
	[sflag:s0] =	ssyncset.done @!p0 $0x0  }
0x38: {  	[sflag:s0] =	ssyncadd.s32 @!p0 s1  }
0x39: {  	[bflag:$0x3] =	sbarrier.arrive $0xFFFF  }
0x3a: {  	_ =	shalt  }

</sc_bundles>
